<compile_context>
chip_gen: v7x
topology: tpu7x:2x2x1
jax: 0.10.2.dev20260603
libtpu: 0.0.44.dev20260713+nightly
codegen_flags: <defaults>
</compile_context>

<pallas_src>
import jax
import jax.numpy as jnp
from jax import lax
from jax.experimental import pallas as pl
from jax.experimental.pallas import tpu as pltpu
from jax.experimental.pallas import tpu_sc as plsc

_FPS = 25.0
_LOSS_SCALE = 1e-07
_B, _N, _S = 16, 2048, 512
_CN = _N + 16
_L = 16


_GR = 16
_RPS = _B * _N // _GR


def _argmax_body(hx_ref, hy_ref, out_ref):
    iot = lax.broadcasted_iota(jnp.int32, (_RPS, _S), 1)
    x = hx_ref[0]
    mx = jnp.max(x, axis=-1, keepdims=True)
    ax = jnp.min(jnp.where(x == mx, iot, _S), axis=-1)
    y = hy_ref[0]
    my = jnp.max(y, axis=-1, keepdims=True)
    ay = jnp.min(jnp.where(y == my, iot, _S), axis=-1)
    out_ref[0, 0, :] = ax.astype(jnp.float32)
    out_ref[0, 1, :] = ay.astype(jnp.float32)


_argmax_call = pl.pallas_call(
    _argmax_body,
    grid=(_GR,),
    in_specs=[
        pl.BlockSpec((1, _RPS, _S), lambda i: (i, 0, 0)),
        pl.BlockSpec((1, _RPS, _S), lambda i: (i, 0, 0)),
    ],
    out_specs=pl.BlockSpec((1, 2, _RPS), lambda i: (i, 0, 0)),
    out_shape=jax.ShapeDtypeStruct((_GR, 2, _RPS), jnp.float32),
)


_GATHER_DNUMS = lax.GatherDimensionNumbers(
    offset_dims=(), collapsed_slice_dims=(0,), start_index_map=(0,))


def _gather16(x, idx):
    return lax.gather(x, idx[:, None], _GATHER_DNUMS, (1,),
                      mode=lax.GatherScatterMode.PROMISE_IN_BOUNDS)


def _sc_loss_body(px_hbm, py_hbm, lx_hbm, ly_hbm, out_hbm,
                  pxv, pyv, lxv, lyv, mfv, cpv, cpxv, cpyv, resv):
    c = lax.axis_index("c")
    s = lax.axis_index("s")
    wid = s * 2 + c

    @pl.when(wid < _B)
    def _():
        b = wid
        pltpu.sync_copy(px_hbm.at[b], pxv)
        pltpu.sync_copy(py_hbm.at[b], pyv)
        pltpu.sync_copy(lx_hbm.at[b], lxv)
        pltpu.sync_copy(ly_hbm.at[b], lyv)
        iota = lax.iota(jnp.int32, _L)
        zf = jnp.zeros((_L,), jnp.float32)
        zi = jnp.zeros((_L,), jnp.int32)

        def pass1(i, carry):
            kofs, kvec, den1, den2 = carry
            off = i * _L
            lx = lxv[pl.ds(off, _L)]
            ly = lyv[pl.ds(off, _L)]
            m = jnp.logical_and(lx != 0.0, ly != 0.0)
            mi = jnp.where(m, 1, 0)
            mf = jnp.where(m, 1.0, 0.0)
            incl = mi
            for d in (1, 2, 4, 8):
                sh = _gather16(incl, jnp.maximum(iota - d, 0))
                incl = incl + jnp.where(iota >= d, sh, 0)
            src = zi
            for w in (8, 4, 2, 1):
                probe = _gather16(incl, src + (w - 1))
                src = src + jnp.where(probe < iota + 1, w, 0)
            cpv[pl.ds(kofs, _L)] = off + src
            cpxv[pl.ds(kofs, _L)] = _gather16(pxv[pl.ds(off, _L)] - lx, src)
            cpyv[pl.ds(kofs, _L)] = _gather16(pyv[pl.ds(off, _L)] - ly, src)
            mfv[pl.ds(off, _L)] = mf
            pos = off + iota
            den1 = den1 + jnp.where(pos >= 1, mf, 0.0)
            den2 = den2 + jnp.where(pos >= 2, mf, 0.0)
            cnt = jnp.squeeze(lax.slice(incl, (_L - 1,), (_L,)))
            kvec = kvec + _gather16(incl, jnp.full((_L,), _L - 1, jnp.int32))
            return kofs + cnt, kvec, den1, den2

        kofs, k, den1, den2 = lax.fori_loop(
            0, _N // _L, pass1, (jnp.int32(0), zi, zf, zf))

        def pass2(i, carry):
            vacc, aacc = carry
            j0 = i * _L
            jv = j0 + iota
            p0 = cpv[pl.ds(j0, _L)]
            p1 = cpv[pl.ds(j0 + 1, _L)]
            p2 = cpv[pl.ds(j0 + 2, _L)]
            ex0 = cpxv[pl.ds(j0, _L)]
            ex1 = cpxv[pl.ds(j0 + 1, _L)]
            ex2 = cpxv[pl.ds(j0 + 2, _L)]
            ey0 = cpyv[pl.ds(j0, _L)]
            ey1 = cpyv[pl.ds(j0 + 1, _L)]
            ey2 = cpyv[pl.ds(j0 + 2, _L)]
            w1 = mfv[pl.ds(j0 + 1, _L)]
            w2 = mfv[pl.ds(j0 + 2, _L)]
            g1 = _FPS / (p1 - p0).astype(jnp.float32)
            g2 = _FPS / (p2 - p1).astype(jnp.float32)
            dvx = (ex1 - ex0) * g1
            dvy = (ey1 - ey0) * g1
            vsq = dvx * dvx + dvy * dvy
            vacc = vacc + jnp.where(jv < k - 1, vsq * w1, 0.0)
            dax = ((ex2 - ex1) * g2 - dvx) * g2
            day = ((ey2 - ey1) * g2 - dvy) * g2
            asq = dax * dax + day * day
            aacc = aacc + jnp.where(jv < k - 2, asq * w2, 0.0)
            return vacc, aacc

        vacc, aacc = lax.fori_loop(0, _N // _L, pass2, (zf, zf))
        resv[0, :] = vacc
        resv[1, :] = aacc
        resv[2, :] = den1
        resv[3, :] = den2
        pltpu.sync_copy(resv, out_hbm.at[b])


_sc_loss_call = pl.kernel(
    _sc_loss_body,
    out_type=jax.ShapeDtypeStruct((_B, 4, _L), jnp.float32),
    mesh=plsc.VectorSubcoreMesh(core_axis_name="c", subcore_axis_name="s"),
    scratch_types=[
        pltpu.VMEM((_N,), jnp.float32),
        pltpu.VMEM((_N,), jnp.float32),
        pltpu.VMEM((_N,), jnp.float32),
        pltpu.VMEM((_N,), jnp.float32),
        pltpu.VMEM((_CN,), jnp.float32),
        pltpu.VMEM((_CN,), jnp.int32),
        pltpu.VMEM((_CN,), jnp.float32),
        pltpu.VMEM((_CN,), jnp.float32),
        pltpu.VMEM((4, _L), jnp.float32),
    ],
)


def kernel(heatmapsx, heatmapsy, labels):
    coords = _argmax_call(heatmapsx.reshape(_GR, _RPS, _S),
                          heatmapsy.reshape(_GR, _RPS, _S))
    px = coords[:, 0, :].reshape(_B, _N)
    py = coords[:, 1, :].reshape(_B, _N)
    lx = labels[:, :, 0]
    ly = labels[:, :, 1]
    partials = _sc_loss_call(px, py, lx, ly)
    sums = jnp.sum(partials, axis=(0, 2))
    total = sums[0] / sums[2] + 0.1 * sums[1] / sums[3]
    return _LOSS_SCALE * total

# --- scband reference (transcript-rebuilt; emitter-appended) ---
"""Pipeline reference for scband-physics-loss-23244363006241 (READ-ONLY COPY).

The authoritative reference and input builder live on the scoring server;
editing this copy changes nothing except your own understanding.
"""

import jax, jax.numpy as jnp
import numpy as np

FPS = 25.0
LOSS_SCALE = 1e-07


def setup_inputs(seed: int = 0) -> dict:
    key = jax.random.key(seed)
    k1, k2, k3 = jax.random.split(key, 3)
    heatmapsx = jax.random.normal(k1, (16, 2048, 512), dtype=jnp.float32)
    heatmapsy = jax.random.normal(k2, (16, 2048, 512), dtype=jnp.float32)
    labels = jax.random.normal(k3, (16, 2048, 2), dtype=jnp.float32)
    return {"heatmapsx": heatmapsx, "heatmapsy": heatmapsy, "labels": labels}


def _compute_velocity_acceleration(coordinates, mask, fps):
    B, N, _ = coordinates.shape
    all_vel = []
    all_acc = []
    for b in range(B):
        mask_b = mask[b]
        k = jnp.sum(mask_b.astype(jnp.int32))
        idx_j = jnp.argsort(~mask_b, stable=True).astype(jnp.int32)
        valid_coords = jnp.take(coordinates[b], idx_j, axis=0)
        time_intervals = (idx_j[1:] - idx_j[:-1]).astype(jnp.float32) / fps
        delta_positions = valid_coords[1:] - valid_coords[:-1]
        velocities = delta_positions / time_intervals[:, None]
        delta_velocities = velocities[1:] - velocities[:-1]
        acceleration_intervals = time_intervals[1:]
        accelerations = delta_velocities / acceleration_intervals[:, None]
        vel_keep = jnp.arange(N - 1) < (k - 1)
        acc_keep = jnp.arange(N - 2) < (k - 2)
        padded_velocity = jnp.where(vel_keep[:, None], velocities, jnp.float32(0.0))
        padded_acceleration = jnp.where(acc_keep[:, None], accelerations, jnp.float32(0.0))
        all_vel.append(padded_velocity)
        all_acc.append(padded_acceleration)
    return jnp.stack(all_vel), jnp.stack(all_acc)


def _compute_loss(predicted, actual, valid_mask):
    squared_error = (predicted - actual) ** 2
    masked_error = squared_error * valid_mask[..., None]
    return masked_error.sum() / valid_mask.sum()


def reference(heatmapsx, heatmapsy, labels):
    # heatmap_to_coord: argmax along the spatial axis of each marginal heatmap
    max_x = jnp.argmax(heatmapsx, axis=-1)
    max_y = jnp.argmax(heatmapsy, axis=-1)
    predicted_coords = jnp.stack((max_x, max_y), axis=-1).astype(jnp.float32)
    valid_mask = jnp.all(labels != 0, axis=-1)
    pred_vel, pred_acc = _compute_velocity_acceleration(predicted_coords, valid_mask, FPS)
    act_vel, act_acc = _compute_velocity_acceleration(labels, valid_mask, FPS)
    vm_f = valid_mask.astype(jnp.float32)
    velocity_loss = _compute_loss(pred_vel, act_vel, vm_f[:, 1:])
    acceleration_loss = _compute_loss(pred_acc, act_acc, vm_f[:, 2:])
    total_loss = velocity_loss + 0.1 * acceleration_loss
    return LOSS_SCALE * total_loss

if __name__ == "__main__":
    import jax
    _d = setup_inputs()
    print(jax.jit(kernel)(*tuple(_d.values())))

</pallas_src>

<mosaic_0001>
#map = affine_map<(d0, d1) -> (0, 0)>
#map1 = affine_map<(d0, d1) -> (0, 0, 0)>
module attributes {stable_mosaic.version = 14 : i64} {
  func.func @_sc_loss_body(%arg0: i32, %arg1: i32, %arg2: memref<16x2048xf32, #tpu.memory_space<hbm>>, %arg3: memref<16x2048xf32, #tpu.memory_space<hbm>>, %arg4: memref<16x2048xf32, #tpu.memory_space<hbm>>, %arg5: memref<16x2048xf32, #tpu.memory_space<hbm>>, %arg6: memref<16x4x16xf32, #tpu.memory_space<hbm>>, %arg7: memref<2048xf32, #tpu.memory_space<vmem>>, %arg8: memref<2048xf32, #tpu.memory_space<vmem>>, %arg9: memref<2048xf32, #tpu.memory_space<vmem>>, %arg10: memref<2048xf32, #tpu.memory_space<vmem>>, %arg11: memref<2064xf32, #tpu.memory_space<vmem>>, %arg12: memref<2064xi32, #tpu.memory_space<vmem>>, %arg13: memref<2064xf32, #tpu.memory_space<vmem>>, %arg14: memref<2064xf32, #tpu.memory_space<vmem>>, %arg15: memref<4x16xf32, #tpu.memory_space<vmem>>) attributes {dimension_semantics = [#tpu.dimension_semantics<core_parallel>, #tpu.dimension_semantics<subcore_parallel>], iteration_bounds = array<i64: 2, 16>, scalar_prefetch = 0 : i64, scratch_operands = 9 : i64, tpu.core_type = #tpu.core_type<sc_vector_subcore>, window_params = [{transform_indices = #map}, {transform_indices = #map}, {transform_indices = #map}, {transform_indices = #map}, {transform_indices = #map1}]} {
    %mul3A = arith.constant 2 : i32
    %mul3A_0 = arith.muli %arg1, %mul3A : i32
    %add3A = arith.addi %mul3A_0, %arg0 : i32
    %lt3A = arith.constant 16 : i32
    %lt3A_1 = arith.cmpi slt, %add3A, %lt3A : i32
    %convert_element_type3A = arith.extui %lt3A_1 : i1 to i32
    %cond3A = arith.constant 0 : i32
    %cond3A_2 = arith.cmpi ne, %convert_element_type3A, %cond3A : i32
    scf.if %cond3A_2 {
      "tpu.region"() ({
        %run_scoped3A = tpu.sem_alloc : memref<!tpu.dma_semaphore, #tpu.memory_space<semaphore_mem>>
        %dma_start3A = arith.constant 0 : i32
        %dma_start3A_41 = tpu.memref_slice %arg2[%add3A, %dma_start3A] : memref<16x2048xf32, #tpu.memory_space<hbm>> -> memref<1x2048xf32, #tpu.memory_space<hbm>>
        %dma_start3A_42 = tpu.memref_squeeze %dma_start3A_41 : memref<1x2048xf32, #tpu.memory_space<hbm>> -> memref<2048xf32, #tpu.memory_space<hbm>>
        %dma_start3A_43 = arith.constant 0 : i32
        %dma_start3A_44 = tpu.memref_slice %arg2[%add3A, %dma_start3A_43] : memref<16x2048xf32, #tpu.memory_space<hbm>> -> memref<1x2048xf32, #tpu.memory_space<hbm>>
        %dma_start3A_45 = tpu.memref_squeeze %dma_start3A_44 : memref<1x2048xf32, #tpu.memory_space<hbm>> -> memref<2048xf32, #tpu.memory_space<hbm>>
        tpu.enqueue_dma source(%dma_start3A_45 : memref<2048xf32, #tpu.memory_space<hbm>>) target(%arg7 : memref<2048xf32, #tpu.memory_space<vmem>>) target_semaphore(%run_scoped3A : memref<!tpu.dma_semaphore, #tpu.memory_space<semaphore_mem>>)
        %dma_wait3A = arith.constant 0 : i32
        %dma_wait3A_46 = tpu.memref_slice %arg2[%add3A, %dma_wait3A] : memref<16x2048xf32, #tpu.memory_space<hbm>> -> memref<1x2048xf32, #tpu.memory_space<hbm>>
        %dma_wait3A_47 = tpu.memref_squeeze %dma_wait3A_46 : memref<1x2048xf32, #tpu.memory_space<hbm>> -> memref<2048xf32, #tpu.memory_space<hbm>>
        %dma_wait3A_48 = arith.constant 0 : i32
        %dma_wait3A_49 = tpu.memref_slice %arg2[%add3A, %dma_wait3A_48] : memref<16x2048xf32, #tpu.memory_space<hbm>> -> memref<1x2048xf32, #tpu.memory_space<hbm>>
        %dma_wait3A_50 = tpu.memref_squeeze %dma_wait3A_49 : memref<1x2048xf32, #tpu.memory_space<hbm>> -> memref<2048xf32, #tpu.memory_space<hbm>>
        tpu.wait_dma2 semaphore(%run_scoped3A : memref<!tpu.dma_semaphore, #tpu.memory_space<semaphore_mem>>) src(%dma_wait3A_50 : memref<2048xf32, #tpu.memory_space<hbm>>) dst(%arg7 : memref<2048xf32, #tpu.memory_space<vmem>>)
        tpu.yield
      }) : () -> ()
      "tpu.region"() ({
        %run_scoped3A = tpu.sem_alloc : memref<!tpu.dma_semaphore, #tpu.memory_space<semaphore_mem>>
        %dma_start3A = arith.constant 0 : i32
        %dma_start3A_41 = tpu.memref_slice %arg3[%add3A, %dma_start3A] : memref<16x2048xf32, #tpu.memory_space<hbm>> -> memref<1x2048xf32, #tpu.memory_space<hbm>>
        %dma_start3A_42 = tpu.memref_squeeze %dma_start3A_41 : memref<1x2048xf32, #tpu.memory_space<hbm>> -> memref<2048xf32, #tpu.memory_space<hbm>>
        %dma_start3A_43 = arith.constant 0 : i32
        %dma_start3A_44 = tpu.memref_slice %arg3[%add3A, %dma_start3A_43] : memref<16x2048xf32, #tpu.memory_space<hbm>> -> memref<1x2048xf32, #tpu.memory_space<hbm>>
        %dma_start3A_45 = tpu.memref_squeeze %dma_start3A_44 : memref<1x2048xf32, #tpu.memory_space<hbm>> -> memref<2048xf32, #tpu.memory_space<hbm>>
        tpu.enqueue_dma source(%dma_start3A_45 : memref<2048xf32, #tpu.memory_space<hbm>>) target(%arg8 : memref<2048xf32, #tpu.memory_space<vmem>>) target_semaphore(%run_scoped3A : memref<!tpu.dma_semaphore, #tpu.memory_space<semaphore_mem>>)
        %dma_wait3A = arith.constant 0 : i32
        %dma_wait3A_46 = tpu.memref_slice %arg3[%add3A, %dma_wait3A] : memref<16x2048xf32, #tpu.memory_space<hbm>> -> memref<1x2048xf32, #tpu.memory_space<hbm>>
        %dma_wait3A_47 = tpu.memref_squeeze %dma_wait3A_46 : memref<1x2048xf32, #tpu.memory_space<hbm>> -> memref<2048xf32, #tpu.memory_space<hbm>>
        %dma_wait3A_48 = arith.constant 0 : i32
        %dma_wait3A_49 = tpu.memref_slice %arg3[%add3A, %dma_wait3A_48] : memref<16x2048xf32, #tpu.memory_space<hbm>> -> memref<1x2048xf32, #tpu.memory_space<hbm>>
        %dma_wait3A_50 = tpu.memref_squeeze %dma_wait3A_49 : memref<1x2048xf32, #tpu.memory_space<hbm>> -> memref<2048xf32, #tpu.memory_space<hbm>>
        tpu.wait_dma2 semaphore(%run_scoped3A : memref<!tpu.dma_semaphore, #tpu.memory_space<semaphore_mem>>) src(%dma_wait3A_50 : memref<2048xf32, #tpu.memory_space<hbm>>) dst(%arg8 : memref<2048xf32, #tpu.memory_space<vmem>>)
        tpu.yield
      }) : () -> ()
      "tpu.region"() ({
        %run_scoped3A = tpu.sem_alloc : memref<!tpu.dma_semaphore, #tpu.memory_space<semaphore_mem>>
        %dma_start3A = arith.constant 0 : i32
        %dma_start3A_41 = tpu.memref_slice %arg4[%add3A, %dma_start3A] : memref<16x2048xf32, #tpu.memory_space<hbm>> -> memref<1x2048xf32, #tpu.memory_space<hbm>>
        %dma_start3A_42 = tpu.memref_squeeze %dma_start3A_41 : memref<1x2048xf32, #tpu.memory_space<hbm>> -> memref<2048xf32, #tpu.memory_space<hbm>>
        %dma_start3A_43 = arith.constant 0 : i32
        %dma_start3A_44 = tpu.memref_slice %arg4[%add3A, %dma_start3A_43] : memref<16x2048xf32, #tpu.memory_space<hbm>> -> memref<1x2048xf32, #tpu.memory_space<hbm>>
        %dma_start3A_45 = tpu.memref_squeeze %dma_start3A_44 : memref<1x2048xf32, #tpu.memory_space<hbm>> -> memref<2048xf32, #tpu.memory_space<hbm>>
        tpu.enqueue_dma source(%dma_start3A_45 : memref<2048xf32, #tpu.memory_space<hbm>>) target(%arg9 : memref<2048xf32, #tpu.memory_space<vmem>>) target_semaphore(%run_scoped3A : memref<!tpu.dma_semaphore, #tpu.memory_space<semaphore_mem>>)
        %dma_wait3A = arith.constant 0 : i32
        %dma_wait3A_46 = tpu.memref_slice %arg4[%add3A, %dma_wait3A] : memref<16x2048xf32, #tpu.memory_space<hbm>> -> memref<1x2048xf32, #tpu.memory_space<hbm>>
        %dma_wait3A_47 = tpu.memref_squeeze %dma_wait3A_46 : memref<1x2048xf32, #tpu.memory_space<hbm>> -> memref<2048xf32, #tpu.memory_space<hbm>>
        %dma_wait3A_48 = arith.constant 0 : i32
        %dma_wait3A_49 = tpu.memref_slice %arg4[%add3A, %dma_wait3A_48] : memref<16x2048xf32, #tpu.memory_space<hbm>> -> memref<1x2048xf32, #tpu.memory_space<hbm>>
        %dma_wait3A_50 = tpu.memref_squeeze %dma_wait3A_49 : memref<1x2048xf32, #tpu.memory_space<hbm>> -> memref<2048xf32, #tpu.memory_space<hbm>>
        tpu.wait_dma2 semaphore(%run_scoped3A : memref<!tpu.dma_semaphore, #tpu.memory_space<semaphore_mem>>) src(%dma_wait3A_50 : memref<2048xf32, #tpu.memory_space<hbm>>) dst(%arg9 : memref<2048xf32, #tpu.memory_space<vmem>>)
        tpu.yield
      }) : () -> ()
      "tpu.region"() ({
        %run_scoped3A = tpu.sem_alloc : memref<!tpu.dma_semaphore, #tpu.memory_space<semaphore_mem>>
        %dma_start3A = arith.constant 0 : i32
        %dma_start3A_41 = tpu.memref_slice %arg5[%add3A, %dma_start3A] : memref<16x2048xf32, #tpu.memory_space<hbm>> -> memref<1x2048xf32, #tpu.memory_space<hbm>>
        %dma_start3A_42 = tpu.memref_squeeze %dma_start3A_41 : memref<1x2048xf32, #tpu.memory_space<hbm>> -> memref<2048xf32, #tpu.memory_space<hbm>>
        %dma_start3A_43 = arith.constant 0 : i32
        %dma_start3A_44 = tpu.memref_slice %arg5[%add3A, %dma_start3A_43] : memref<16x2048xf32, #tpu.memory_space<hbm>> -> memref<1x2048xf32, #tpu.memory_space<hbm>>
        %dma_start3A_45 = tpu.memref_squeeze %dma_start3A_44 : memref<1x2048xf32, #tpu.memory_space<hbm>> -> memref<2048xf32, #tpu.memory_space<hbm>>
        tpu.enqueue_dma source(%dma_start3A_45 : memref<2048xf32, #tpu.memory_space<hbm>>) target(%arg10 : memref<2048xf32, #tpu.memory_space<vmem>>) target_semaphore(%run_scoped3A : memref<!tpu.dma_semaphore, #tpu.memory_space<semaphore_mem>>)
        %dma_wait3A = arith.constant 0 : i32
        %dma_wait3A_46 = tpu.memref_slice %arg5[%add3A, %dma_wait3A] : memref<16x2048xf32, #tpu.memory_space<hbm>> -> memref<1x2048xf32, #tpu.memory_space<hbm>>
        %dma_wait3A_47 = tpu.memref_squeeze %dma_wait3A_46 : memref<1x2048xf32, #tpu.memory_space<hbm>> -> memref<2048xf32, #tpu.memory_space<hbm>>
        %dma_wait3A_48 = arith.constant 0 : i32
        %dma_wait3A_49 = tpu.memref_slice %arg5[%add3A, %dma_wait3A_48] : memref<16x2048xf32, #tpu.memory_space<hbm>> -> memref<1x2048xf32, #tpu.memory_space<hbm>>
        %dma_wait3A_50 = tpu.memref_squeeze %dma_wait3A_49 : memref<1x2048xf32, #tpu.memory_space<hbm>> -> memref<2048xf32, #tpu.memory_space<hbm>>
        tpu.wait_dma2 semaphore(%run_scoped3A : memref<!tpu.dma_semaphore, #tpu.memory_space<semaphore_mem>>) src(%dma_wait3A_50 : memref<2048xf32, #tpu.memory_space<hbm>>) dst(%arg10 : memref<2048xf32, #tpu.memory_space<vmem>>)
        tpu.yield
      }) : () -> ()
      %iota3A = tpu.iota {dimensions = array<i32: 0>} : vector<16xi32>
      %broadcast_in_dim3A = arith.constant 0.000000e+00 : f32
      %broadcast_in_dim3A_3 = vector.broadcast %broadcast_in_dim3A : f32 to vector<16xf32>
      %broadcast_in_dim3A_4 = arith.constant 0 : i32
      %broadcast_in_dim3A_5 = vector.broadcast %broadcast_in_dim3A_4 : i32 to vector<16xi32>
      %scan3A = arith.constant 0 : i32
      %scan3A_6 = arith.constant 0 : i32
      %scan3A_7 = arith.constant 128 : i32
      %scan3A_8 = arith.addi %scan3A_6, %scan3A_7 : i32
      %scan3A_9 = arith.constant 1 : i32
      %scan3A_10:4 = scf.for %scan3A_41 = %scan3A_6 to %scan3A_8 step %scan3A_9 iter_args(%scan3A_42 = %scan3A, %scan3A_43 = %broadcast_in_dim3A_5, %scan3A_44 = %broadcast_in_dim3A_3, %scan3A_45 = %broadcast_in_dim3A_3) -> (i32, vector<16xi32>, vector<16xf32>, vector<16xf32>)  : i32 {
        %mul3A_46 = arith.constant 16 : i32
        %mul3A_47 = arith.muli %scan3A_41, %mul3A_46 : i32
        %get3A = arith.index_cast %mul3A_47 : i32 to index
        %get3A_48 = tpu.vector_load %arg9[%get3A] {strides = array<i32>} : memref<2048xf32, #tpu.memory_space<vmem>>, vector<16xf32>,
        %get3A_49 = vector.shape_cast %get3A_48 : vector<16xf32> to vector<16xf32>
        %get3A_50 = arith.index_cast %mul3A_47 : i32 to index
        %get3A_51 = tpu.vector_load %arg10[%get3A_50] {strides = array<i32>} : memref<2048xf32, #tpu.memory_space<vmem>>, vector<16xf32>,
        %get3A_52 = vector.shape_cast %get3A_51 : vector<16xf32> to vector<16xf32>
        %ne3A = arith.constant 0.000000e+00 : f32
        %ne3A_53 = vector.broadcast %ne3A : f32 to vector<16xf32>
        %ne3A_54 = arith.cmpf one, %get3A_49, %ne3A_53 : vector<16xf32>
        %ne3A_55 = arith.constant 0.000000e+00 : f32
        %ne3A_56 = vector.broadcast %ne3A_55 : f32 to vector<16xf32>
        %ne3A_57 = arith.cmpf one, %get3A_52, %ne3A_56 : vector<16xf32>
        %and3A = arith.andi %ne3A_54, %ne3A_57 : vector<16xi1>
        %jit3A = arith.constant 1 : i32
        %jit3A_58 = arith.constant 0 : i32
        %broadcast_in_dim3A_59 = vector.broadcast %jit3A : i32 to vector<16xi32>
        %broadcast_in_dim3A_60 = vector.broadcast %jit3A_58 : i32 to vector<16xi32>
        %select_n3A = arith.select %and3A, %broadcast_in_dim3A_59, %broadcast_in_dim3A_60 : vector<16xi1>, vector<16xi32>
        %jit3A_61 = arith.constant 1.000000e+00 : f32
        %jit3A_62 = arith.constant 0.000000e+00 : f32
        %broadcast_in_dim3A_63 = vector.broadcast %jit3A_61 : f32 to vector<16xf32>
        %broadcast_in_dim3A_64 = vector.broadcast %jit3A_62 : f32 to vector<16xf32>
        %select_n3A_65 = arith.select %and3A, %broadcast_in_dim3A_63, %broadcast_in_dim3A_64 : vector<16xi1>, vector<16xf32>
        %sub3A = arith.constant 1 : i32
        %sub3A_66 = vector.broadcast %sub3A : i32 to vector<16xi32>
        %sub3A_67 = arith.subi %iota3A, %sub3A_66 : vector<16xi32>
        %max3A = arith.constant 0 : i32
        %max3A_68 = vector.broadcast %max3A : i32 to vector<16xi32>
        %max3A_69 = arith.maxsi %sub3A_67, %max3A_68 : vector<16xi32>
        %broadcast_in_dim3A_70 = vector.shape_cast %max3A_69 : vector<16xi32> to vector<16x1xi32>
        %gather3A = vector.shape_cast %broadcast_in_dim3A_70 : vector<16x1xi32> to vector<16xi32>
        %gather3A_71 = tpu.dynamic_gather %select_n3A[%gather3A] in [0] : vector<16xi32>, vector<16xi32> -> vector<16xi32>
        %ge3A = arith.constant 1 : i32
        %ge3A_72 = vector.broadcast %ge3A : i32 to vector<16xi32>
        %ge3A_73 = arith.cmpi sge, %iota3A, %ge3A_72 : vector<16xi32>
        %jit3A_74 = arith.constant 0 : i32
        %broadcast_in_dim3A_75 = vector.broadcast %jit3A_74 : i32 to vector<16xi32>
        %select_n3A_76 = arith.select %ge3A_73, %gather3A_71, %broadcast_in_dim3A_75 : vector<16xi1>, vector<16xi32>
        %add3A_77 = arith.addi %select_n3A, %select_n3A_76 : vector<16xi32>
        %sub3A_78 = arith.constant 2 : i32
        %sub3A_79 = vector.broadcast %sub3A_78 : i32 to vector<16xi32>
        %sub3A_80 = arith.subi %iota3A, %sub3A_79 : vector<16xi32>
        %max3A_81 = arith.constant 0 : i32
        %max3A_82 = vector.broadcast %max3A_81 : i32 to vector<16xi32>
        %max3A_83 = arith.maxsi %sub3A_80, %max3A_82 : vector<16xi32>
        %broadcast_in_dim3A_84 = vector.shape_cast %max3A_83 : vector<16xi32> to vector<16x1xi32>
        %gather3A_85 = vector.shape_cast %broadcast_in_dim3A_84 : vector<16x1xi32> to vector<16xi32>
        %gather3A_86 = tpu.dynamic_gather %add3A_77[%gather3A_85] in [0] : vector<16xi32>, vector<16xi32> -> vector<16xi32>
        %ge3A_87 = arith.constant 2 : i32
        %ge3A_88 = vector.broadcast %ge3A_87 : i32 to vector<16xi32>
        %ge3A_89 = arith.cmpi sge, %iota3A, %ge3A_88 : vector<16xi32>
        %jit3A_90 = arith.constant 0 : i32
        %broadcast_in_dim3A_91 = vector.broadcast %jit3A_90 : i32 to vector<16xi32>
        %select_n3A_92 = arith.select %ge3A_89, %gather3A_86, %broadcast_in_dim3A_91 : vector<16xi1>, vector<16xi32>
        %add3A_93 = arith.addi %add3A_77, %select_n3A_92 : vector<16xi32>
        %sub3A_94 = arith.constant 4 : i32
        %sub3A_95 = vector.broadcast %sub3A_94 : i32 to vector<16xi32>
        %sub3A_96 = arith.subi %iota3A, %sub3A_95 : vector<16xi32>
        %max3A_97 = arith.constant 0 : i32
        %max3A_98 = vector.broadcast %max3A_97 : i32 to vector<16xi32>
        %max3A_99 = arith.maxsi %sub3A_96, %max3A_98 : vector<16xi32>
        %broadcast_in_dim3A_100 = vector.shape_cast %max3A_99 : vector<16xi32> to vector<16x1xi32>
        %gather3A_101 = vector.shape_cast %broadcast_in_dim3A_100 : vector<16x1xi32> to vector<16xi32>
        %gather3A_102 = tpu.dynamic_gather %add3A_93[%gather3A_101] in [0] : vector<16xi32>, vector<16xi32> -> vector<16xi32>
        %ge3A_103 = arith.constant 4 : i32
        %ge3A_104 = vector.broadcast %ge3A_103 : i32 to vector<16xi32>
        %ge3A_105 = arith.cmpi sge, %iota3A, %ge3A_104 : vector<16xi32>
        %jit3A_106 = arith.constant 0 : i32
        %broadcast_in_dim3A_107 = vector.broadcast %jit3A_106 : i32 to vector<16xi32>
        %select_n3A_108 = arith.select %ge3A_105, %gather3A_102, %broadcast_in_dim3A_107 : vector<16xi1>, vector<16xi32>
        %add3A_109 = arith.addi %add3A_93, %select_n3A_108 : vector<16xi32>
        %sub3A_110 = arith.constant 8 : i32
        %sub3A_111 = vector.broadcast %sub3A_110 : i32 to vector<16xi32>
        %sub3A_112 = arith.subi %iota3A, %sub3A_111 : vector<16xi32>
        %max3A_113 = arith.constant 0 : i32
        %max3A_114 = vector.broadcast %max3A_113 : i32 to vector<16xi32>
        %max3A_115 = arith.maxsi %sub3A_112, %max3A_114 : vector<16xi32>
        %broadcast_in_dim3A_116 = vector.shape_cast %max3A_115 : vector<16xi32> to vector<16x1xi32>
        %gather3A_117 = vector.shape_cast %broadcast_in_dim3A_116 : vector<16x1xi32> to vector<16xi32>
        %gather3A_118 = tpu.dynamic_gather %add3A_109[%gather3A_117] in [0] : vector<16xi32>, vector<16xi32> -> vector<16xi32>
        %ge3A_119 = arith.constant 8 : i32
        %ge3A_120 = vector.broadcast %ge3A_119 : i32 to vector<16xi32>
        %ge3A_121 = arith.cmpi sge, %iota3A, %ge3A_120 : vector<16xi32>
        %jit3A_122 = arith.constant 0 : i32
        %broadcast_in_dim3A_123 = vector.broadcast %jit3A_122 : i32 to vector<16xi32>
        %select_n3A_124 = arith.select %ge3A_121, %gather3A_118, %broadcast_in_dim3A_123 : vector<16xi1>, vector<16xi32>
        %add3A_125 = arith.addi %add3A_109, %select_n3A_124 : vector<16xi32>
        %add3A_126 = arith.constant 7 : i32
        %add3A_127 = vector.broadcast %add3A_126 : i32 to vector<16xi32>
        %add3A_128 = arith.addi %broadcast_in_dim3A_5, %add3A_127 : vector<16xi32>
        %broadcast_in_dim3A_129 = vector.shape_cast %add3A_128 : vector<16xi32> to vector<16x1xi32>
        %gather3A_130 = vector.shape_cast %broadcast_in_dim3A_129 : vector<16x1xi32> to vector<16xi32>
        %gather3A_131 = tpu.dynamic_gather %add3A_125[%gather3A_130] in [0] : vector<16xi32>, vector<16xi32> -> vector<16xi32>
        %add3A_132 = arith.constant 1 : i32
        %add3A_133 = vector.broadcast %add3A_132 : i32 to vector<16xi32>
        %add3A_134 = arith.addi %iota3A, %add3A_133 : vector<16xi32>
        %lt3A_135 = arith.cmpi slt, %gather3A_131, %add3A_134 : vector<16xi32>
        %jit3A_136 = arith.constant 8 : i32
        %jit3A_137 = arith.constant 0 : i32
        %broadcast_in_dim3A_138 = vector.broadcast %jit3A_136 : i32 to vector<16xi32>
        %broadcast_in_dim3A_139 = vector.broadcast %jit3A_137 : i32 to vector<16xi32>
        %select_n3A_140 = arith.select %lt3A_135, %broadcast_in_dim3A_138, %broadcast_in_dim3A_139 : vector<16xi1>, vector<16xi32>
        %add3A_141 = arith.addi %broadcast_in_dim3A_5, %select_n3A_140 : vector<16xi32>
        %add3A_142 = arith.constant 3 : i32
        %add3A_143 = vector.broadcast %add3A_142 : i32 to vector<16xi32>
        %add3A_144 = arith.addi %add3A_141, %add3A_143 : vector<16xi32>
        %broadcast_in_dim3A_145 = vector.shape_cast %add3A_144 : vector<16xi32> to vector<16x1xi32>
        %gather3A_146 = vector.shape_cast %broadcast_in_dim3A_145 : vector<16x1xi32> to vector<16xi32>
        %gather3A_147 = tpu.dynamic_gather %add3A_125[%gather3A_146] in [0] : vector<16xi32>, vector<16xi32> -> vector<16xi32>
        %add3A_148 = arith.constant 1 : i32
        %add3A_149 = vector.broadcast %add3A_148 : i32 to vector<16xi32>
        %add3A_150 = arith.addi %iota3A, %add3A_149 : vector<16xi32>
        %lt3A_151 = arith.cmpi slt, %gather3A_147, %add3A_150 : vector<16xi32>
        %jit3A_152 = arith.constant 4 : i32
        %jit3A_153 = arith.constant 0 : i32
        %broadcast_in_dim3A_154 = vector.broadcast %jit3A_152 : i32 to vector<16xi32>
        %broadcast_in_dim3A_155 = vector.broadcast %jit3A_153 : i32 to vector<16xi32>
        %select_n3A_156 = arith.select %lt3A_151, %broadcast_in_dim3A_154, %broadcast_in_dim3A_155 : vector<16xi1>, vector<16xi32>
        %add3A_157 = arith.addi %add3A_141, %select_n3A_156 : vector<16xi32>
        %add3A_158 = arith.constant 1 : i32
        %add3A_159 = vector.broadcast %add3A_158 : i32 to vector<16xi32>
        %add3A_160 = arith.addi %add3A_157, %add3A_159 : vector<16xi32>
        %broadcast_in_dim3A_161 = vector.shape_cast %add3A_160 : vector<16xi32> to vector<16x1xi32>
        %gather3A_162 = vector.shape_cast %broadcast_in_dim3A_161 : vector<16x1xi32> to vector<16xi32>
        %gather3A_163 = tpu.dynamic_gather %add3A_125[%gather3A_162] in [0] : vector<16xi32>, vector<16xi32> -> vector<16xi32>
        %add3A_164 = arith.constant 1 : i32
        %add3A_165 = vector.broadcast %add3A_164 : i32 to vector<16xi32>
        %add3A_166 = arith.addi %iota3A, %add3A_165 : vector<16xi32>
        %lt3A_167 = arith.cmpi slt, %gather3A_163, %add3A_166 : vector<16xi32>
        %jit3A_168 = arith.constant 2 : i32
        %jit3A_169 = arith.constant 0 : i32
        %broadcast_in_dim3A_170 = vector.broadcast %jit3A_168 : i32 to vector<16xi32>
        %broadcast_in_dim3A_171 = vector.broadcast %jit3A_169 : i32 to vector<16xi32>
        %select_n3A_172 = arith.select %lt3A_167, %broadcast_in_dim3A_170, %broadcast_in_dim3A_171 : vector<16xi1>, vector<16xi32>
        %add3A_173 = arith.addi %add3A_157, %select_n3A_172 : vector<16xi32>
        %add3A_174 = arith.constant 0 : i32
        %add3A_175 = vector.broadcast %add3A_174 : i32 to vector<16xi32>
        %add3A_176 = arith.addi %add3A_173, %add3A_175 : vector<16xi32>
        %broadcast_in_dim3A_177 = vector.shape_cast %add3A_176 : vector<16xi32> to vector<16x1xi32>
        %gather3A_178 = vector.shape_cast %broadcast_in_dim3A_177 : vector<16x1xi32> to vector<16xi32>
        %gather3A_179 = tpu.dynamic_gather %add3A_125[%gather3A_178] in [0] : vector<16xi32>, vector<16xi32> -> vector<16xi32>
        %add3A_180 = arith.constant 1 : i32
        %add3A_181 = vector.broadcast %add3A_180 : i32 to vector<16xi32>
        %add3A_182 = arith.addi %iota3A, %add3A_181 : vector<16xi32>
        %lt3A_183 = arith.cmpi slt, %gather3A_179, %add3A_182 : vector<16xi32>
        %jit3A_184 = arith.constant 1 : i32
        %jit3A_185 = arith.constant 0 : i32
        %broadcast_in_dim3A_186 = vector.broadcast %jit3A_184 : i32 to vector<16xi32>
        %broadcast_in_dim3A_187 = vector.broadcast %jit3A_185 : i32 to vector<16xi32>
        %select_n3A_188 = arith.select %lt3A_183, %broadcast_in_dim3A_186, %broadcast_in_dim3A_187 : vector<16xi1>, vector<16xi32>
        %add3A_189 = arith.addi %add3A_173, %select_n3A_188 : vector<16xi32>
        %add3A_190 = vector.broadcast %mul3A_47 : i32 to vector<16xi32>
        %add3A_191 = arith.addi %add3A_190, %add3A_189 : vector<16xi32>
        %swap3A_192 = arith.index_cast %scan3A_42 : i32 to index
        %swap3A_193 = tpu.vector_load %arg12[%swap3A_192] {strides = array<i32>} : memref<2064xi32, #tpu.memory_space<vmem>>, vector<16xi32>,
        %swap3A_194 = vector.shape_cast %swap3A_193 : vector<16xi32> to vector<16xi32>
        %swap3A_195 = vector.shape_cast %add3A_191 : vector<16xi32> to vector<16xi32>
        tpu.vector_store %arg12[%swap3A_192], %swap3A_195 {strides = array<i32>} : memref<2064xi32, #tpu.memory_space<vmem>>, vector<16xi32>,
        %get3A_196 = arith.index_cast %mul3A_47 : i32 to index
        %get3A_197 = tpu.vector_load %arg7[%get3A_196] {strides = array<i32>} : memref<2048xf32, #tpu.memory_space<vmem>>, vector<16xf32>,
        %get3A_198 = vector.shape_cast %get3A_197 : vector<16xf32> to vector<16xf32>
        %sub3A_199 = arith.subf %get3A_198, %get3A_49 : vector<16xf32>
        %broadcast_in_dim3A_200 = vector.shape_cast %add3A_189 : vector<16xi32> to vector<16x1xi32>
        %gather3A_201 = vector.shape_cast %broadcast_in_dim3A_200 : vector<16x1xi32> to vector<16xi32>
        %gather3A_202 = tpu.dynamic_gather %sub3A_199[%gather3A_201] in [0] : vector<16xf32>, vector<16xi32> -> vector<16xf32>
        %swap3A_203 = arith.index_cast %scan3A_42 : i32 to index
        %swap3A_204 = tpu.vector_load %arg13[%swap3A_203] {strides = array<i32>} : memref<2064xf32, #tpu.memory_space<vmem>>, vector<16xf32>,
        %swap3A_205 = vector.shape_cast %swap3A_204 : vector<16xf32> to vector<16xf32>
        %swap3A_206 = vector.shape_cast %gather3A_202 : vector<16xf32> to vector<16xf32>
        tpu.vector_store %arg13[%swap3A_203], %swap3A_206 {strides = array<i32>} : memref<2064xf32, #tpu.memory_space<vmem>>, vector<16xf32>,
        %get3A_207 = arith.index_cast %mul3A_47 : i32 to index
        %get3A_208 = tpu.vector_load %arg8[%get3A_207] {strides = array<i32>} : memref<2048xf32, #tpu.memory_space<vmem>>, vector<16xf32>,
        %get3A_209 = vector.shape_cast %get3A_208 : vector<16xf32> to vector<16xf32>
        %sub3A_210 = arith.subf %get3A_209, %get3A_52 : vector<16xf32>
        %broadcast_in_dim3A_211 = vector.shape_cast %add3A_189 : vector<16xi32> to vector<16x1xi32>
        %gather3A_212 = vector.shape_cast %broadcast_in_dim3A_211 : vector<16x1xi32> to vector<16xi32>
        %gather3A_213 = tpu.dynamic_gather %sub3A_210[%gather3A_212] in [0] : vector<16xf32>, vector<16xi32> -> vector<16xf32>
        %swap3A_214 = arith.index_cast %scan3A_42 : i32 to index
        %swap3A_215 = tpu.vector_load %arg14[%swap3A_214] {strides = array<i32>} : memref<2064xf32, #tpu.memory_space<vmem>>, vector<16xf32>,
        %swap3A_216 = vector.shape_cast %swap3A_215 : vector<16xf32> to vector<16xf32>
        %swap3A_217 = vector.shape_cast %gather3A_213 : vector<16xf32> to vector<16xf32>
        tpu.vector_store %arg14[%swap3A_214], %swap3A_217 {strides = array<i32>} : memref<2064xf32, #tpu.memory_space<vmem>>, vector<16xf32>,
        %swap3A_218 = arith.index_cast %mul3A_47 : i32 to index
        %swap3A_219 = tpu.vector_load %arg11[%swap3A_218] {strides = array<i32>} : memref<2064xf32, #tpu.memory_space<vmem>>, vector<16xf32>,
        %swap3A_220 = vector.shape_cast %swap3A_219 : vector<16xf32> to vector<16xf32>
        %swap3A_221 = vector.shape_cast %select_n3A_65 : vector<16xf32> to vector<16xf32>
        tpu.vector_store %arg11[%swap3A_218], %swap3A_221 {strides = array<i32>} : memref<2064xf32, #tpu.memory_space<vmem>>, vector<16xf32>,
        %add3A_222 = vector.broadcast %mul3A_47 : i32 to vector<16xi32>
        %add3A_223 = arith.addi %add3A_222, %iota3A : vector<16xi32>
        %ge3A_224 = arith.constant 1 : i32
        %ge3A_225 = vector.broadcast %ge3A_224 : i32 to vector<16xi32>
        %ge3A_226 = arith.cmpi sge, %add3A_223, %ge3A_225 : vector<16xi32>
        %jit3A_227 = arith.constant 0.000000e+00 : f32
        %broadcast_in_dim3A_228 = vector.broadcast %jit3A_227 : f32 to vector<16xf32>
        %select_n3A_229 = arith.select %ge3A_226, %select_n3A_65, %broadcast_in_dim3A_228 : vector<16xi1>, vector<16xf32>
        %add3A_230 = arith.addf %scan3A_44, %select_n3A_229 : vector<16xf32>
        %ge3A_231 = arith.constant 2 : i32
        %ge3A_232 = vector.broadcast %ge3A_231 : i32 to vector<16xi32>
        %ge3A_233 = arith.cmpi sge, %add3A_223, %ge3A_232 : vector<16xi32>
        %jit3A_234 = arith.constant 0.000000e+00 : f32
        %broadcast_in_dim3A_235 = vector.broadcast %jit3A_234 : f32 to vector<16xf32>
        %select_n3A_236 = arith.select %ge3A_233, %select_n3A_65, %broadcast_in_dim3A_235 : vector<16xi1>, vector<16xf32>
        %add3A_237 = arith.addf %scan3A_45, %select_n3A_236 : vector<16xf32>
        %slice3A = vector.extract_strided_slice %add3A_125 {offsets = [15], sizes = [1], strides = [1]} : vector<16xi32> to vector<1xi32>
        %squeeze3A = vector.extract %slice3A[0] : i32 from vector<1xi32>
        %broadcast_in_dim3A_238 = arith.constant 15 : i32
        %broadcast_in_dim3A_239 = vector.broadcast %broadcast_in_dim3A_238 : i32 to vector<16xi32>
        %broadcast_in_dim3A_240 = vector.shape_cast %broadcast_in_dim3A_239 : vector<16xi32> to vector<16x1xi32>
        %gather3A_241 = vector.shape_cast %broadcast_in_dim3A_240 : vector<16x1xi32> to vector<16xi32>
        %gather3A_242 = tpu.dynamic_gather %add3A_125[%gather3A_241] in [0] : vector<16xi32>, vector<16xi32> -> vector<16xi32>
        %add3A_243 = arith.addi %scan3A_43, %gather3A_242 : vector<16xi32>
        %add3A_244 = arith.addi %scan3A_42, %squeeze3A : i32
        scf.yield %add3A_244, %add3A_243, %add3A_230, %add3A_237 : i32, vector<16xi32>, vector<16xf32>, vector<16xf32>
      }
      %scan3A_11 = arith.constant 128 : i32
      %scan3A_12 = arith.constant 0 : i32
      %scan3A_13 = arith.constant 128 : i32
      %scan3A_14 = arith.addi %scan3A_12, %scan3A_13 : i32
      %scan3A_15 = arith.constant 1 : i32
      %scan3A_16:2 = scf.for %scan3A_41 = %scan3A_12 to %scan3A_14 step %scan3A_15 iter_args(%scan3A_42 = %broadcast_in_dim3A_3, %scan3A_43 = %broadcast_in_dim3A_3) -> (vector<16xf32>, vector<16xf32>)  : i32 {
        %mul3A_44 = arith.constant 16 : i32
        %mul3A_45 = arith.muli %scan3A_41, %mul3A_44 : i32
        %add3A_46 = vector.broadcast %mul3A_45 : i32 to vector<16xi32>
        %add3A_47 = arith.addi %add3A_46, %iota3A : vector<16xi32>
        %get3A = arith.index_cast %mul3A_45 : i32 to index
        %get3A_48 = tpu.vector_load %arg12[%get3A] {strides = array<i32>} : memref<2064xi32, #tpu.memory_space<vmem>>, vector<16xi32>,
        %get3A_49 = vector.shape_cast %get3A_48 : vector<16xi32> to vector<16xi32>
        %add3A_50 = arith.constant 1 : i32
        %add3A_51 = arith.addi %mul3A_45, %add3A_50 : i32
        %get3A_52 = arith.index_cast %add3A_51 : i32 to index
        %get3A_53 = tpu.vector_load %arg12[%get3A_52] {strides = array<i32>} : memref<2064xi32, #tpu.memory_space<vmem>>, vector<16xi32>,
        %get3A_54 = vector.shape_cast %get3A_53 : vector<16xi32> to vector<16xi32>
        %add3A_55 = arith.constant 2 : i32
        %add3A_56 = arith.addi %mul3A_45, %add3A_55 : i32
        %get3A_57 = arith.index_cast %add3A_56 : i32 to index
        %get3A_58 = tpu.vector_load %arg12[%get3A_57] {strides = array<i32>} : memref<2064xi32, #tpu.memory_space<vmem>>, vector<16xi32>,
        %get3A_59 = vector.shape_cast %get3A_58 : vector<16xi32> to vector<16xi32>
        %get3A_60 = arith.index_cast %mul3A_45 : i32 to index
        %get3A_61 = tpu.vector_load %arg13[%get3A_60] {strides = array<i32>} : memref<2064xf32, #tpu.memory_space<vmem>>, vector<16xf32>,
        %get3A_62 = vector.shape_cast %get3A_61 : vector<16xf32> to vector<16xf32>
        %add3A_63 = arith.constant 1 : i32
        %add3A_64 = arith.addi %mul3A_45, %add3A_63 : i32
        %get3A_65 = arith.index_cast %add3A_64 : i32 to index
        %get3A_66 = tpu.vector_load %arg13[%get3A_65] {strides = array<i32>} : memref<2064xf32, #tpu.memory_space<vmem>>, vector<16xf32>,
        %get3A_67 = vector.shape_cast %get3A_66 : vector<16xf32> to vector<16xf32>
        %add3A_68 = arith.constant 2 : i32
        %add3A_69 = arith.addi %mul3A_45, %add3A_68 : i32
        %get3A_70 = arith.index_cast %add3A_69 : i32 to index
        %get3A_71 = tpu.vector_load %arg13[%get3A_70] {strides = array<i32>} : memref<2064xf32, #tpu.memory_space<vmem>>, vector<16xf32>,
        %get3A_72 = vector.shape_cast %get3A_71 : vector<16xf32> to vector<16xf32>
        %get3A_73 = arith.index_cast %mul3A_45 : i32 to index
        %get3A_74 = tpu.vector_load %arg14[%get3A_73] {strides = array<i32>} : memref<2064xf32, #tpu.memory_space<vmem>>, vector<16xf32>,
        %get3A_75 = vector.shape_cast %get3A_74 : vector<16xf32> to vector<16xf32>
        %add3A_76 = arith.constant 1 : i32
        %add3A_77 = arith.addi %mul3A_45, %add3A_76 : i32
        %get3A_78 = arith.index_cast %add3A_77 : i32 to index
        %get3A_79 = tpu.vector_load %arg14[%get3A_78] {strides = array<i32>} : memref<2064xf32, #tpu.memory_space<vmem>>, vector<16xf32>,
        %get3A_80 = vector.shape_cast %get3A_79 : vector<16xf32> to vector<16xf32>
        %add3A_81 = arith.constant 2 : i32
        %add3A_82 = arith.addi %mul3A_45, %add3A_81 : i32
        %get3A_83 = arith.index_cast %add3A_82 : i32 to index
        %get3A_84 = tpu.vector_load %arg14[%get3A_83] {strides = array<i32>} : memref<2064xf32, #tpu.memory_space<vmem>>, vector<16xf32>,
        %get3A_85 = vector.shape_cast %get3A_84 : vector<16xf32> to vector<16xf32>
        %add3A_86 = arith.constant 1 : i32
        %add3A_87 = arith.addi %mul3A_45, %add3A_86 : i32
        %get3A_88 = arith.index_cast %add3A_87 : i32 to index
        %get3A_89 = tpu.vector_load %arg11[%get3A_88] {strides = array<i32>} : memref<2064xf32, #tpu.memory_space<vmem>>, vector<16xf32>,
        %get3A_90 = vector.shape_cast %get3A_89 : vector<16xf32> to vector<16xf32>
        %add3A_91 = arith.constant 2 : i32
        %add3A_92 = arith.addi %mul3A_45, %add3A_91 : i32
        %get3A_93 = arith.index_cast %add3A_92 : i32 to index
        %get3A_94 = tpu.vector_load %arg11[%get3A_93] {strides = array<i32>} : memref<2064xf32, #tpu.memory_space<vmem>>, vector<16xf32>,
        %get3A_95 = vector.shape_cast %get3A_94 : vector<16xf32> to vector<16xf32>
        %sub3A = arith.subi %get3A_54, %get3A_49 : vector<16xi32>
        %convert_element_type3A_96 = arith.sitofp %sub3A : vector<16xi32> to vector<16xf32>
        %div3A = arith.constant 2.500000e+01 : f32
        %div3A_97 = vector.broadcast %div3A : f32 to vector<16xf32>
        %div3A_98 = arith.divf %div3A_97, %convert_element_type3A_96 : vector<16xf32>
        %sub3A_99 = arith.subi %get3A_59, %get3A_54 : vector<16xi32>
        %convert_element_type3A_100 = arith.sitofp %sub3A_99 : vector<16xi32> to vector<16xf32>
        %div3A_101 = arith.constant 2.500000e+01 : f32
        %div3A_102 = vector.broadcast %div3A_101 : f32 to vector<16xf32>
        %div3A_103 = arith.divf %div3A_102, %convert_element_type3A_100 : vector<16xf32>
        %sub3A_104 = arith.subf %get3A_67, %get3A_62 : vector<16xf32>
        %mul3A_105 = arith.mulf %sub3A_104, %div3A_98 : vector<16xf32>
        %sub3A_106 = arith.subf %get3A_80, %get3A_75 : vector<16xf32>
        %mul3A_107 = arith.mulf %sub3A_106, %div3A_98 : vector<16xf32>
        %mul3A_108 = arith.mulf %mul3A_105, %mul3A_105 : vector<16xf32>
        %mul3A_109 = arith.mulf %mul3A_107, %mul3A_107 : vector<16xf32>
        %add3A_110 = arith.addf %mul3A_108, %mul3A_109 : vector<16xf32>
        %sub3A_111 = arith.constant 1 : i32
        %sub3A_112 = vector.broadcast %sub3A_111 : i32 to vector<16xi32>
        %sub3A_113 = arith.subi %scan3A_10#1, %sub3A_112 : vector<16xi32>
        %lt3A_114 = arith.cmpi slt, %add3A_47, %sub3A_113 : vector<16xi32>
        %mul3A_115 = arith.mulf %add3A_110, %get3A_90 : vector<16xf32>
        %jit3A = arith.constant 0.000000e+00 : f32
        %broadcast_in_dim3A_116 = vector.broadcast %jit3A : f32 to vector<16xf32>
        %select_n3A = arith.select %lt3A_114, %mul3A_115, %broadcast_in_dim3A_116 : vector<16xi1>, vector<16xf32>
        %add3A_117 = arith.addf %scan3A_42, %select_n3A : vector<16xf32>
        %sub3A_118 = arith.subf %get3A_72, %get3A_67 : vector<16xf32>
        %mul3A_119 = arith.mulf %sub3A_118, %div3A_103 : vector<16xf32>
        %sub3A_120 = arith.subf %mul3A_119, %mul3A_105 : vector<16xf32>
        %mul3A_121 = arith.mulf %sub3A_120, %div3A_103 : vector<16xf32>
        %sub3A_122 = arith.subf %get3A_85, %get3A_80 : vector<16xf32>
        %mul3A_123 = arith.mulf %sub3A_122, %div3A_103 : vector<16xf32>
        %sub3A_124 = arith.subf %mul3A_123, %mul3A_107 : vector<16xf32>
        %mul3A_125 = arith.mulf %sub3A_124, %div3A_103 : vector<16xf32>
        %mul3A_126 = arith.mulf %mul3A_121, %mul3A_121 : vector<16xf32>
        %mul3A_127 = arith.mulf %mul3A_125, %mul3A_125 : vector<16xf32>
        %add3A_128 = arith.addf %mul3A_126, %mul3A_127 : vector<16xf32>
        %sub3A_129 = arith.constant 2 : i32
        %sub3A_130 = vector.broadcast %sub3A_129 : i32 to vector<16xi32>
        %sub3A_131 = arith.subi %scan3A_10#1, %sub3A_130 : vector<16xi32>
        %lt3A_132 = arith.cmpi slt, %add3A_47, %sub3A_131 : vector<16xi32>
        %mul3A_133 = arith.mulf %add3A_128, %get3A_95 : vector<16xf32>
        %jit3A_134 = arith.constant 0.000000e+00 : f32
        %broadcast_in_dim3A_135 = vector.broadcast %jit3A_134 : f32 to vector<16xf32>
        %select_n3A_136 = arith.select %lt3A_132, %mul3A_133, %broadcast_in_dim3A_135 : vector<16xi1>, vector<16xf32>
        %add3A_137 = arith.addf %scan3A_43, %select_n3A_136 : vector<16xf32>
        scf.yield %add3A_117, %add3A_137 : vector<16xf32>, vector<16xf32>
      }
      %scan3A_17 = arith.constant 128 : i32
      %swap3A = arith.constant 0 : i32
      %swap3A_18 = arith.index_cast %swap3A : i32 to index
      %swap3A_19 = arith.constant 0 : index
      %swap3A_20 = tpu.vector_load %arg15[%swap3A_18, %swap3A_19] {strides = array<i32>} : memref<4x16xf32, #tpu.memory_space<vmem>>, vector<1x16xf32>,
      %swap3A_21 = vector.shape_cast %swap3A_20 : vector<1x16xf32> to vector<16xf32>
      %swap3A_22 = vector.shape_cast %scan3A_16#0 : vector<16xf32> to vector<1x16xf32>
      tpu.vector_store %arg15[%swap3A_18, %swap3A_19], %swap3A_22 {strides = array<i32>} : memref<4x16xf32, #tpu.memory_space<vmem>>, vector<1x16xf32>,
      %swap3A_23 = arith.constant 1 : i32
      %swap3A_24 = arith.index_cast %swap3A_23 : i32 to index
      %swap3A_25 = arith.constant 0 : index
      %swap3A_26 = tpu.vector_load %arg15[%swap3A_24, %swap3A_25] {strides = array<i32>} : memref<4x16xf32, #tpu.memory_space<vmem>>, vector<1x16xf32>,
      %swap3A_27 = vector.shape_cast %swap3A_26 : vector<1x16xf32> to vector<16xf32>
      %swap3A_28 = vector.shape_cast %scan3A_16#1 : vector<16xf32> to vector<1x16xf32>
      tpu.vector_store %arg15[%swap3A_24, %swap3A_25], %swap3A_28 {strides = array<i32>} : memref<4x16xf32, #tpu.memory_space<vmem>>, vector<1x16xf32>,
      %swap3A_29 = arith.constant 2 : i32
      %swap3A_30 = arith.index_cast %swap3A_29 : i32 to index
      %swap3A_31 = arith.constant 0 : index
      %swap3A_32 = tpu.vector_load %arg15[%swap3A_30, %swap3A_31] {strides = array<i32>} : memref<4x16xf32, #tpu.memory_space<vmem>>, vector<1x16xf32>,
      %swap3A_33 = vector.shape_cast %swap3A_32 : vector<1x16xf32> to vector<16xf32>
      %swap3A_34 = vector.shape_cast %scan3A_10#2 : vector<16xf32> to vector<1x16xf32>
      tpu.vector_store %arg15[%swap3A_30, %swap3A_31], %swap3A_34 {strides = array<i32>} : memref<4x16xf32, #tpu.memory_space<vmem>>, vector<1x16xf32>,
      %swap3A_35 = arith.constant 3 : i32
      %swap3A_36 = arith.index_cast %swap3A_35 : i32 to index
      %swap3A_37 = arith.constant 0 : index
      %swap3A_38 = tpu.vector_load %arg15[%swap3A_36, %swap3A_37] {strides = array<i32>} : memref<4x16xf32, #tpu.memory_space<vmem>>, vector<1x16xf32>,
      %swap3A_39 = vector.shape_cast %swap3A_38 : vector<1x16xf32> to vector<16xf32>
      %swap3A_40 = vector.shape_cast %scan3A_10#3 : vector<16xf32> to vector<1x16xf32>
      tpu.vector_store %arg15[%swap3A_36, %swap3A_37], %swap3A_40 {strides = array<i32>} : memref<4x16xf32, #tpu.memory_space<vmem>>, vector<1x16xf32>,
      "tpu.region"() ({
        %run_scoped3A = tpu.sem_alloc : memref<!tpu.dma_semaphore, #tpu.memory_space<semaphore_mem>>
        %dma_start3A = arith.constant 0 : i32
        %dma_start3A_41 = arith.constant 0 : i32
        %dma_start3A_42 = tpu.memref_slice %arg6[%add3A, %dma_start3A, %dma_start3A_41] : memref<16x4x16xf32, #tpu.memory_space<hbm>> -> memref<1x4x16xf32, #tpu.memory_space<hbm>>
        %dma_start3A_43 = tpu.memref_squeeze %dma_start3A_42 : memref<1x4x16xf32, #tpu.memory_space<hbm>> -> memref<4x16xf32, #tpu.memory_space<hbm>>
        %dma_start3A_44 = arith.constant 0 : i32
        %dma_start3A_45 = arith.constant 0 : i32
        %dma_start3A_46 = tpu.memref_slice %arg6[%add3A, %dma_start3A_44, %dma_start3A_45] : memref<16x4x16xf32, #tpu.memory_space<hbm>> -> memref<1x4x16xf32, #tpu.memory_space<hbm>>
        %dma_start3A_47 = tpu.memref_squeeze %dma_start3A_46 : memref<1x4x16xf32, #tpu.memory_space<hbm>> -> memref<4x16xf32, #tpu.memory_space<hbm>>
        tpu.enqueue_dma source(%arg15 : memref<4x16xf32, #tpu.memory_space<vmem>>) target(%dma_start3A_47 : memref<4x16xf32, #tpu.memory_space<hbm>>) target_semaphore(%run_scoped3A : memref<!tpu.dma_semaphore, #tpu.memory_space<semaphore_mem>>)
        %dma_wait3A = arith.constant 0 : i32
        %dma_wait3A_48 = arith.constant 0 : i32
        %dma_wait3A_49 = tpu.memref_slice %arg6[%add3A, %dma_wait3A, %dma_wait3A_48] : memref<16x4x16xf32, #tpu.memory_space<hbm>> -> memref<1x4x16xf32, #tpu.memory_space<hbm>>
        %dma_wait3A_50 = tpu.memref_squeeze %dma_wait3A_49 : memref<1x4x16xf32, #tpu.memory_space<hbm>> -> memref<4x16xf32, #tpu.memory_space<hbm>>
        %dma_wait3A_51 = arith.constant 0 : i32
        %dma_wait3A_52 = arith.constant 0 : i32
        %dma_wait3A_53 = tpu.memref_slice %arg6[%add3A, %dma_wait3A_51, %dma_wait3A_52] : memref<16x4x16xf32, #tpu.memory_space<hbm>> -> memref<1x4x16xf32, #tpu.memory_space<hbm>>
        %dma_wait3A_54 = tpu.memref_squeeze %dma_wait3A_53 : memref<1x4x16xf32, #tpu.memory_space<hbm>> -> memref<4x16xf32, #tpu.memory_space<hbm>>
        tpu.wait_dma2 semaphore(%run_scoped3A : memref<!tpu.dma_semaphore, #tpu.memory_space<semaphore_mem>>) src(%arg15 : memref<4x16xf32, #tpu.memory_space<vmem>>) dst(%dma_wait3A_54 : memref<4x16xf32, #tpu.memory_space<hbm>>)
        tpu.yield
      }) : () -> ()
    } else {
    }
    return
  }
}

module attributes {stable_mosaic.version = 14 : i64} {
  func.func @_argmax_body(%arg0: i32, %arg1: memref<1x2048x512xf32, #tpu.memory_space<vmem>>, %arg2: memref<1x2048x512xf32, #tpu.memory_space<vmem>>, %arg3: memref<1x2x2048xf32, #tpu.memory_space<vmem>>) attributes {dimension_semantics = [#tpu.dimension_semantics<arbitrary>], iteration_bounds = array<i64: 16>, scalar_prefetch = 0 : i64, scratch_operands = 0 : i64, tpu.core_type = #tpu.core_type<tc>, window_params = [{transform_indices = @transform_0, window_bounds = array<i64: 1, 2048, 512>}, {transform_indices = @transform_1, window_bounds = array<i64: 1, 2048, 512>}, {transform_indices = @transform_2, window_bounds = array<i64: 1, 2, 2048>}]} {
    %iota3A = tpu.iota {dimensions = array<i32: 1>} : vector<2048x512xi32>
    %get3A = arith.constant 0 : index
    %get3A_0 = arith.constant 0 : index
    %get3A_1 = arith.constant 0 : index
    %get3A_2 = vector.load %arg1[%get3A, %get3A_0, %get3A_1] : memref<1x2048x512xf32, #tpu.memory_space<vmem>>, vector<1x2048x512xf32>
    %get3A_3 = vector.shape_cast %get3A_2 : vector<1x2048x512xf32> to vector<2048x512xf32>
    %reduce_max3A = arith.constant dense<0xFF800000> : vector<2048xf32>
    %reduce_max3A_4 = vector.multi_reduction <maximumf>, %get3A_3, %reduce_max3A [1] : vector<2048x512xf32> to vector<2048xf32>
    %broadcast_in_dim3A = vector.shape_cast %reduce_max3A_4 : vector<2048xf32> to vector<2048x1xf32>
    %eq3A = vector.broadcast %broadcast_in_dim3A : vector<2048x1xf32> to vector<2048x512xf32>
    %eq3A_5 = arith.cmpf oeq, %get3A_3, %eq3A : vector<2048x512xf32>
    %jit3A = arith.constant 512 : i32
    %broadcast_in_dim3A_6 = vector.broadcast %jit3A : i32 to vector<2048x512xi32>
    %select_n3A = arith.select %eq3A_5, %iota3A, %broadcast_in_dim3A_6 : vector<2048x512xi1>, vector<2048x512xi32>
    %reduce_min3A = arith.constant dense<2147483647> : vector<2048xi32>
    %reduce_min3A_7 = vector.multi_reduction <minsi>, %select_n3A, %reduce_min3A [1] : vector<2048x512xi32> to vector<2048xi32>
    %get3A_8 = arith.constant 0 : index
    %get3A_9 = arith.constant 0 : index
    %get3A_10 = arith.constant 0 : index
    %get3A_11 = vector.load %arg2[%get3A_8, %get3A_9, %get3A_10] : memref<1x2048x512xf32, #tpu.memory_space<vmem>>, vector<1x2048x512xf32>
    %get3A_12 = vector.shape_cast %get3A_11 : vector<1x2048x512xf32> to vector<2048x512xf32>
    %reduce_max3A_13 = arith.constant dense<0xFF800000> : vector<2048xf32>
    %reduce_max3A_14 = vector.multi_reduction <maximumf>, %get3A_12, %reduce_max3A_13 [1] : vector<2048x512xf32> to vector<2048xf32>
    %broadcast_in_dim3A_15 = vector.shape_cast %reduce_max3A_14 : vector<2048xf32> to vector<2048x1xf32>
    %eq3A_16 = vector.broadcast %broadcast_in_dim3A_15 : vector<2048x1xf32> to vector<2048x512xf32>
    %eq3A_17 = arith.cmpf oeq, %get3A_12, %eq3A_16 : vector<2048x512xf32>
    %jit3A_18 = arith.constant 512 : i32
    %broadcast_in_dim3A_19 = vector.broadcast %jit3A_18 : i32 to vector<2048x512xi32>
    %select_n3A_20 = arith.select %eq3A_17, %iota3A, %broadcast_in_dim3A_19 : vector<2048x512xi1>, vector<2048x512xi32>
    %reduce_min3A_21 = arith.constant dense<2147483647> : vector<2048xi32>
    %reduce_min3A_22 = vector.multi_reduction <minsi>, %select_n3A_20, %reduce_min3A_21 [1] : vector<2048x512xi32> to vector<2048xi32>
    %convert_element_type3A = arith.sitofp %reduce_min3A_7 : vector<2048xi32> to vector<2048xf32>
    %swap3A = arith.constant 0 : index
    %swap3A_23 = arith.constant 0 : index
    %swap3A_24 = arith.constant 0 : index
    %swap3A_25 = vector.load %arg3[%swap3A, %swap3A_23, %swap3A_24] : memref<1x2x2048xf32, #tpu.memory_space<vmem>>, vector<1x1x2048xf32>
    %swap3A_26 = vector.shape_cast %swap3A_25 : vector<1x1x2048xf32> to vector<2048xf32>
    %swap3A_27 = vector.shape_cast %convert_element_type3A : vector<2048xf32> to vector<1x1x2048xf32>
    tpu.vector_store %arg3[%swap3A, %swap3A_23, %swap3A_24], %swap3A_27 {strides = array<i32>} : memref<1x2x2048xf32, #tpu.memory_space<vmem>>, vector<1x1x2048xf32>,
    %convert_element_type3A_28 = arith.sitofp %reduce_min3A_22 : vector<2048xi32> to vector<2048xf32>
    %swap3A_29 = arith.constant 0 : index
    %swap3A_30 = arith.constant 1 : index
    %swap3A_31 = arith.constant 0 : index
    %swap3A_32 = vector.load %arg3[%swap3A_29, %swap3A_30, %swap3A_31] : memref<1x2x2048xf32, #tpu.memory_space<vmem>>, vector<1x1x2048xf32>
    %swap3A_33 = vector.shape_cast %swap3A_32 : vector<1x1x2048xf32> to vector<2048xf32>
    %swap3A_34 = vector.shape_cast %convert_element_type3A_28 : vector<2048xf32> to vector<1x1x2048xf32>
    tpu.vector_store %arg3[%swap3A_29, %swap3A_30, %swap3A_31], %swap3A_34 {strides = array<i32>} : memref<1x2x2048xf32, #tpu.memory_space<vmem>>, vector<1x1x2048xf32>,
    return
  }
  func.func @transform_0(%arg0: i32) -> (i32, i32, i32) {
    %c0_i32 = arith.constant 0 : i32
    %c0_i32_0 = arith.constant 0 : i32
    %c0_i32_1 = arith.constant 0 : i32
    return %arg0, %c0_i32, %c0_i32_0 : i32, i32, i32
  }
  func.func @transform_1(%arg0: i32) -> (i32, i32, i32) {
    %c0_i32 = arith.constant 0 : i32
    %c0_i32_0 = arith.constant 0 : i32
    %c0_i32_1 = arith.constant 0 : i32
    return %arg0, %c0_i32, %c0_i32_0 : i32, i32, i32
  }
  func.func @transform_2(%arg0: i32) -> (i32, i32, i32) {
    %c0_i32 = arith.constant 0 : i32
    %c0_i32_0 = arith.constant 0 : i32
    %c0_i32_1 = arith.constant 0 : i32
    return %arg0, %c0_i32, %c0_i32_0 : i32, i32, i32
  }
}

</mosaic_0001>

<sc_bundles>
// kernel: kernel.4.cloned.1.call-start
scs
__scs_entry_jumppad:
0x0: {  	(pc) =	sbr.rel $0x88, $3  }
0x1: {  	(tag) =	ssettag $0x0;
	lr =	simm.s32 $0x1  }
0x2: {  	[smem:$0x3F9E] =	sst lr;
	_ =	strace $0xD0000000  }
0x3: {  	_ = 	snop  }
0x4: {  	_ = 	snop  }
0x5: {  	_ = 	snop  }
0x6: {  	_ = 	snop  }
0x7: {  	_ = 	snop  }
__scs_overlays_trampoline_lowered:
0x8: {  	[smem:$0x3FAD] =	sst s0  }
0x9: {  	[smem:$0x3FAE] =	sst s1  }
0xa: {  	[smem:$0x3FAF] =	sst s2  }
0xb: {  	[smem:$0x3FB0] =	sst s3  }
0xc: {  	[smem:$0x3FB1] =	sst s4  }
0xd: {  	[smem:$0x3FB2] =	sst s5  }
0xe: {  	[smem:$0x3FB3] =	sst s6  }
0xf: {  	[smem:$0x3FB4] =	sst s7  }
0x10: {  	[smem:$0x3FB5] =	sst s8  }
0x11: {  	[smem:$0x3FB6] =	sst s9;
	s0 =	simm.s32 @!p0 $0x0  }
0x12: {  	s1 =	sld [smem:$0x3F9C];
	s0 =	simm.s32 @p0 $0x1  }
0x13: {  	[smem:$0x3FB7] =	sst s0;
	s0 =	simm.s32 @!p1 $0x0  }
0x14: {  	s2 =	sld [smem:$0x3F9B];
	s0 =	simm.s32 @p1 $0x1  }
0x15: {  	[smem:$0x3FB8] =	sst s0;
	s0 =	simm.s32 @!p2 $0x0  }
0x16: {  	s3 =	sld [smem:$0x3FDB];
	s0 =	simm.s32 @p2 $0x1  }
0x17: {  	s4 =	simm.s32 $0x1BF5;
	[smem:$0x3FBA] =	sst s0  }
0x18: {  	s0 =	sld [smem:$0x3F9D];
	_ =	swait.ge [sflag:s4], $0x0  }
0x19: {  	s7 =	sld [smem:$0x3F9E]  }
0x1a: {  	s8 =	sadd.s32 $0xFFFFE003, lr  }
0x1b: {  	s9 =	sadd.s32 $0xFFFFFEF7, lr;
	s5 =	simm.s32 $0xFFFFFFFF;
	p2 =	slt.u32 s8, $0xFFFFF086  }
0x1c: {  	p1 =	slt.u32 s9, $0xF7A;
	s5 =	simm.s32 @!p2 $0x0  }
0x1d: {  	s5 =	simm.s32 @p1 $0x1;
	p0 =	seq.s32 s7, s2  }
0x1e: {  	s7 =	smul.u32 @!p0 $0xF7A, s2;
	p2 =	seq.s32 @!p0 s5, $0x0  }
0x1f: {  	s9 =	smul.u32 $0xF7A, s1;
	s8 =	simm.s32 @!p0 $0x1BF5;
	p2 =	por !p2, p0  }
0x20: {  	[sflag:s8] =	ssyncset.s32 @!p0 $0xFFFFF086;
	s6 =	sadd.s32 @!p0 s3, s7;
	s7 =	simm.s32 @!p0 $0x108  }
0x21: {  	s3 =	sadd.s32 s3, s9;
	s6 =	sadd.s32 @!p0 $0x88, s6;
	s7 =	simm.s32 @p2 $0x1082  }
0x22: {  	[simem:s7], [sflag:s8] =	dma.local @!p0 [hbm:s6], $0xF7A  }
0x23: {  	s9 =	sor.u32 $0xD0000000, s2;
	s6 =	simm.s32 $0x108;
	_ =	swait.ge @!p0 [sflag:s8], $0x0  }
0x24: {  	s3 =	sadd.s32 $0x88, s3;
	s6 =	simm.s32 @!p1 $0x1082;
	[sflag:s4] =	ssyncset.s32 $0xFFFFF086  }
0x25: {  	[simem:s6], [sflag:s4] =	dma.local [hbm:s3], $0xF7A  }
0x26: {  	[smem:$0x3F9E] =	sst s1;
	(tag) =	ssettag s2;
	_ =	strace s9  }
0x27: {  	s1 =	sld [smem:$0x3FAE]  }
0x28: {  	s2 =	sld [smem:$0x3FAF]  }
0x29: {  	s4 =	sld [smem:$0x3FB1]  }
0x2a: {  	p0 =	seq.s32 s5, $0x0;
	s5 =	sld [smem:$0x3FB2]  }
0x2b: {  	s6 =	sld [smem:$0x3FB3]  }
0x2c: {  	s7 =	sld [smem:$0x3FB4]  }
0x2d: {  	s3 =	simm.s32 $0x108;
	s8 =	sld [smem:$0x3FB5]  }
0x2e: {  	s3 =	simm.s32 @!p0 $0x1082;
	s9 =	sld [smem:$0x3FB6]  }
0x2f: {  	lr =	sadd.s32 s0, s3;
	s0 =	sld [smem:$0x3FAD]  }
0x30: {  	s3 =	sld [smem:$0x3FB0]  }
0x31: {  	[smem:$0x3FB9] =	sst s10  }
0x32: {  	s10 =	sld [smem:$0x3FB7];
	_ =	sdelay $0x3  }
0x33: {  	p0 =	seq.s32 s10, $0x1;
	s10 =	sld [smem:$0x3FB9];
	_ =	sdelay $0x3  }
0x34: {  	[smem:$0x3FB9] =	sst s10  }
0x35: {  	s10 =	sld [smem:$0x3FB8];
	_ =	sdelay $0x3  }
0x36: {  	p1 =	seq.s32 s10, $0x1;
	s10 =	sld [smem:$0x3FB9];
	_ =	sdelay $0x3  }
0x37: {  	[smem:$0x3FB9] =	sst s10  }
0x38: {  	s10 =	sld [smem:$0x3FBA]  }
0x39: {  	_ = 	snop;
	(pc) =	sbr.ind lr, $3  }
0x3a: {  	_ = 	snop  }
0x3b: {  	_ = 	snop  }
0x3c: {  	p2 =	seq.s32 s10, $0x1;
	s10 =	sld [smem:$0x3FB9]  }
0x3d: {  	_ =	shalt  }
0x3e: {  	_ =	shalt  }
0x3f: {  	_ =	shalt  }
0x40: {  	_ =	shalt  }
0x41: {  	_ =	shalt  }
0x42: {  	_ =	shalt  }
0x43: {  	_ =	shalt  }
0x44: {  	_ =	shalt  }
0x45: {  	_ =	shalt  }
0x46: {  	_ =	shalt  }
0x47: {  	_ =	shalt  }
0x48: {  	_ =	shalt  }
0x49: {  	_ =	shalt  }
0x4a: {  	_ =	shalt  }
0x4b: {  	_ =	shalt  }
0x4c: {  	_ =	shalt  }
0x4d: {  	_ =	shalt  }
0x4e: {  	_ =	shalt  }
0x4f: {  	_ =	shalt  }
0x50: {  	_ =	shalt  }
0x51: {  	_ =	shalt  }
0x52: {  	_ =	shalt  }
0x53: {  	_ =	shalt  }
0x54: {  	_ =	shalt  }
0x55: {  	_ =	shalt  }
0x56: {  	_ =	shalt  }
0x57: {  	_ =	shalt  }
0x58: {  	_ =	shalt  }
0x59: {  	_ =	shalt  }
0x5a: {  	_ =	shalt  }
0x5b: {  	_ =	shalt  }
0x5c: {  	_ =	shalt  }
0x5d: {  	_ =	shalt  }
0x5e: {  	_ =	shalt  }
0x5f: {  	_ =	shalt  }
0x60: {  	_ =	shalt  }
0x61: {  	_ =	shalt  }
0x62: {  	_ =	shalt  }
0x63: {  	_ =	shalt  }
0x64: {  	_ =	shalt  }
0x65: {  	_ =	shalt  }
0x66: {  	_ =	shalt  }
0x67: {  	_ =	shalt  }
0x68: {  	_ =	shalt  }
0x69: {  	_ =	shalt  }
0x6a: {  	_ =	shalt  }
0x6b: {  	_ =	shalt  }
0x6c: {  	_ =	shalt  }
0x6d: {  	_ =	shalt  }
0x6e: {  	_ =	shalt  }
0x6f: {  	_ =	shalt  }
0x70: {  	_ =	shalt  }
0x71: {  	_ =	shalt  }
0x72: {  	_ =	shalt  }
0x73: {  	_ =	shalt  }
0x74: {  	_ =	shalt  }
0x75: {  	_ =	shalt  }
0x76: {  	_ =	shalt  }
0x77: {  	_ =	shalt  }
0x78: {  	_ =	shalt  }
0x79: {  	_ =	shalt  }
0x7a: {  	_ =	shalt  }
0x7b: {  	_ =	shalt  }
0x7c: {  	_ =	shalt  }
0x7d: {  	_ =	shalt  }
0x7e: {  	_ =	shalt  }
0x7f: {  	_ =	shalt  }
0x80: {  	_ =	shalt  }
0x81: {  	_ =	shalt  }
0x82: {  	_ =	shalt  }
0x83: {  	_ =	shalt  }
0x84: {  	_ =	shalt  }
0x85: {  	_ =	shalt  }
0x86: {  	_ =	shalt  }
0x87: {  	_ =	shalt  }
.Lfunc_end0:
.L_simem_size_0:
called_computation_lowered:
.L_overlay_start_0:
0x88: {  	s2 =	sld [smem:$0x3FD9]  }
0x89: {  	s3 =	sld [smem:$0x3FFE];
	_ =	sdelay $0x1  }
0x8a: {  	s1 =	srdreg.scid  }
0x8b: {  	s0 =	sand.u32 $0x1, s1  }
0x8c: {  	s16 =	sshll.u32 s0, $0xA;
	s2 =	sadd.s32 s3, s2  }
0x8d: {  	s2 =	sadd.s32 s2, s16  }
0x8e: {  	[smem:$0x3FC5] =	sst s2  }
0x8f: {  	_ = 	snop  }
0x90: {  	(tm) =	ssettm $0x1  }
0x91: {  	s17 =	sld [smem:$0x3FFB];
	_ =	sdelay $0x3  }
0x92: {  	_ =	strace s17  }
0x93: {  	s2 =	sld [smem:$0x3FFC];
	_ =	sdelay $0x3  }
0x94: {  	_ =	strace s2  }
0x95: {  	s2 =	sld [smem:$0x3FFD];
	_ =	sdelay $0x3  }
0x96: {  	_ =	strace s2  }
0x97: {  	_ =	strace $0x8FFFFFFF  }
0x98: {  	s18 =	sld [smem:$0x3FDB];
	_ =	sdelay $0x1  }
0x99: {  	s19 =	simm.s32 $_scs_section_size  }
0x9a: {  	s4 =	simm.s32 $_size__tile_overlayer_lowered;
	s5 =	simm.s32 $_tile_overlayer_lowered  }
0x9b: {  	s22 =	simm.s32 $0x1BFF;
	s21 =	sshll.u32 s5, $0x1;
	s2 =	sadd.s32 s19, s18  }
0x9c: {  	s6 =	simm.s32 $0x0;
	s20 =	sshll.u32 s4, $0x1;
	s4 =	sadd.s32 s21, s2  }
0x9d: {  	[timem:s6], [sflag:s22] =	dma.local [hbm:s4], s20  }
0x9e: {  	_ =	swait.ge [sflag:s22], s20  }
0x9f: {  	s3 =	ssub.s32 $0x0, s20;
	[sflag:s22] =	ssyncset.done $0x0  }
0xa0: {  	[sflag:s22] =	ssyncadd.s32 s3;
	_ =	sdelay $0x1  }
0xa1: {  	s23 =	simm.s32 $0x1B8B  }
0xa2: {  	_ =	swait.ge [sflag:s23], $0x1  }
0xa3: {  	[sflag:s23] =	ssyncset.done $0x0  }
0xa4: {  	s25 =	simm.s32 $0x1B8E;
	s24 =	sld [smem:$0x3FFE];
	[sflag:s23] =	ssyncadd.s32 $0xFFFFFFFF  }
0xa5: {  	s26 =	simm.s32 $execute0_lowered;
	[smem:$0x3FD2] =	sst s25  }
0xa6: {  	s4 =	sshll.u32 s26, $0x1;
	_ =	strace $0x80000046;
	[dreg:$0x1] =	wrdreg $0xFFFFFFFF  }
0xa7: {  	s28 =	simm.s32 $_size_execute0_lowered;
	s2 =	sadd.s32 s2, s4;
	[dreg:$0x0] =	wrdreg $0x0  }
0xa8: {  	s4 =	sshll.u32 s28, $0x1;
	[dreg:$0x2] =	wrdreg s2  }
0xa9: {  	[dreg:$0x3] =	wrdreg s4  }
0xaa: {  	[dreg:$0x4] =	wrdreg $0xC0  }
0xab: {  	_ =	task [dreg:s6], $0x5FFFF  }
0xac: {  	[dreg:$0x1] =	wrdreg $0xFFFFFFFF  }
0xad: {  	[dreg:$0x0] =	wrdreg $0x60  }
0xae: {  	[dreg:$0x2] =	wrdreg s24  }
0xaf: {  	[dreg:$0x3] =	wrdreg $0x9  }
0xb0: {  	_ =	task.clear_ibuf [dreg:s6], $0x4FFFF;
	_ =	strace $0x90000046  }
0xb1: {  	s29 =	simm.s32 $0x9;
	_ =	strace $0x80000048  }
0xb2: {  	_ =	swait.ge [sflag:s29], $0x1  }
0xb3: {  	[sflag:s29] =	ssyncadd.s32 $0xFFFFFFFF  }
0xb4: {  	_ =	strace $0x90000048  }
0xb5: {  	_ =	sfence  }
0xb6: {  	s30 =	sld [smem:$0x0];
	_ =	sdelay $0x2  }
0xb7: {  	s31 =	sshll.u32 s1, $0xD;
	s1 =	sshrl.u32 s1, $0x2  }
0xb8: {  	s3 =	sand.u32 $0x4000, s31;
	s1 =	sadd.s32 s1, s30  }
0xb9: {  	s0 =	sor.u32 s3, s0;
	s1 =	sshll.u32 s1, $0x11  }
0xba: {  	s0 =	sor.u32 s1, s0  }
0xbb: {  	s0 =	sadd.s32 $0x8F2B, s0  }
0xbc: {  	[sflag:s0] =	ssyncadd.remote.s32 $0x1  }
0xbd: {  	_ =	sfence.sel $0xFFFF  }
0xbe: {  	[dreg:$0x0] =	wrdreg $0xFFFFFFFF;
	(pc) =	sbr.abs _section_cstart, $3  }
0xbf: {  	[dreg:$0x1] =	wrdreg $0xFFFFFFFF  }
0xc0: {  	_ =	task.clear_ibuf [dreg:s6], $0x2FFFF;
	_ =	strace $0x9FFFFFFF  }
0xc1: {  	(tm) =	ssettm $0x7FFFFFFF  }
tec
execute0_lowered:
.L_overlay_start_1:
0x0: {  	(tag) =	ssettag $0x1  }
0x1: {  	s1 =	stileid.u32  }
0x2: {  	p0 =	sgt.u32 s1, $0x7  }
.Ltmp0:
0x3: {  	_ = 	snop;
	(pc) =	sbr.rel @p0 .LBB2_7-.Ltmp0, $4  }
0x4: {  	_ = 	snop  }
0x5: {  	s3 =	rddreg [dreg:$0x0];
	s2 =	simm.s32 $0x0  }
0x6: {  	[smem:$0x7FF] =	sst s2  }
0x7: {  	s0 =	rddreg [dreg:$0x1];
	_ =	strace $0x80000047  }
0x8: {  	v0 =	vimm.s32 $0xEDCBA987  }
0x9: {  	v1 =	vimm.s32 $0x65432100;
	v2 =	vunpack.c.l.s4.s8 v0  }
0xa: {  	v4 =	vimm.s32 $0xDCBA9876;
	v5 =	vimm.s32 $0x54321000;
	v3 =	vunpack.c.l.s4.s8 v1  }
0xb: {  	v6 =	vimm.s32 $0xBA987654;
	vm0 =	vmmov $0x3;
	v2 =	vunpack.c.0.s8.s32 v2  }
0xc: {  	vm2 =	vcmask $0x3F30;
	vm1 =	vmmov $0xf;
	v3 =	vunpack.c.0.s8.s32 v3  }
0xd: {  	v0 =	vimm.f32 $0.0e+00;
	v4 =	vunpack.c.l.s4.s8 v4;
	v2 =	vand.u32 $0xF, v2  }
0xe: {  	s4 =	srdreg.scid;
	s5 =	sshll.u32 s1, $0x1;
	v2 =	vcombine.low v3, v2;
	v3 =	vunpack.c.l.s4.s8 v5;
	v5 =	vimm.s32 $0xE40000  }
0xf: {  	s6 =	sshll.u32 s1, $0x9;
	s8 =	sadd.s32 $0x1C00, s3;
	v1 =	vimm.s32 $0x0;
	s4 =	sand.u32 $0x1, s4;
	v4 =	vunpack.c.0.s8.s32 v4;
	v5 =	vunpack.c.l.s2.s4 v5  }
0x10: {  	s12 =	simm.s32 $0x4200;
	s13 =	simm.s32 $0x0;
	v6 =	vunpack.c.l.s4.s8 v6;
	s5 =	sor.u32 s4, s5;
	v7 =	vunpack.c.0.s8.s32 v3;
	v3 =	vimm.s32 $0x32100000  }
0x11: {  	s10 =	ssub.s32 $0x2, s4;
	s7 =	sshll.u32 s5, $0x4;
	s5 =	sshll.u32 s5, $0x6;
	v4 =	vand.u32 $0xF, v4;
	v8 =	vunpack.c.l.s4.s8 v3;
	v5 =	vunpack.c.l.s4.s8 v5  }
0x12: {  	v6 =	vunpack.c.0.s8.s32 v6;
	s11 =	sshrl.u32 s10, $0x1;
	s6 =	sor.u32 s6, s7;
	s9 =	sadd.s32 s5, s3;
	v3 =	vlaneseq.u32;
	v4 =	vcombine.low v7, v4  }
0x13: {  	s31 =	ssub.s32 s10, s11;
	s10 =	simm.s32 $0x400;
	s7 =	sand.u32 $0x870, s6;
	v7 =	vunpack.c.0.s8.s32 v8;
	v8 =	vimm.s32 $0x7060504;
	v9 =	vunpack.c.0.s8.s32 v5  }
0x14: {  	s11 =	simm.s32 $0x1;
	s6 =	sadd.s32 s7, s3;
	s7 =	sadd.s32 s8, s7;
	v5 =	vand.u32 $0xF, v6;
	v6 =	vunpack.c.0.s8.s32 v8;
	v8 =	vadd.s32 $0x1, v3  }
0x15: {  	s8 =	smax.u32 s31, $0x1;
	s3 =	sadd.s32 $0xC00, s6;
	s4 =	sadd.s32 $0x3C00, s6;
	v5 =	vcombine.low v7, v5;
	v7 =	vand.u32 $0x3, v9;
	v9 =	vimm.s32 $0xF  }
0x16: {  	s5 =	sadd.s32 $0x2C00, s6;
	s6 =	sadd.s32 $0x4C00, s9;
	s9 =	simm.s32 $0x80;
	v6 =	vsel vm2, v6, v7;
	vm2 =	vmmov $0xff;
	v7 =	vimm.s32 $0x7  }
.LBB2_2:
0x17: {  	s14 =	simm.s32 $0x0  }
0x18: {  	[tilespmem:s14], [sflag:$0x1] =	stream.strided.gather [hbm4b:s7+s9], $0x800, s10, s9, $0x38;
	[tilespmem:$0x4400] =	vst v63  }
0x19: {  	_ =	swait.ge [sflag:s11], $0x800  }
0x1a: {  	[sflag:s11] =	ssyncset.done $0x0  }
0x1b: {  	s18 =	simm.s32 $0x800;
	[sflag:s11] =	ssyncadd.s32 $0xFFFFF800  }
0x1c: {  	[tilespmem:s18], [sflag:$0x1] =	stream.strided.gather [hbm4b:s3+s9], $0x800, s10, s9, $0x38;
	[tilespmem:$0x4400] =	vst v63  }
0x1d: {  	_ =	swait.ge [sflag:s11], $0x800  }
0x1e: {  	[sflag:s11] =	ssyncset.done $0x0  }
0x1f: {  	s15 =	simm.s32 $0x1000;
	[sflag:s11] =	ssyncadd.s32 $0xFFFFF800  }
0x20: {  	[tilespmem:s15], [sflag:$0x1] =	stream.strided.gather [hbm4b:s4+s9], $0x800, s10, s9, $0x38;
	[tilespmem:$0x4400] =	vst v63  }
0x21: {  	_ =	swait.ge [sflag:s11], $0x800  }
0x22: {  	[sflag:s11] =	ssyncset.done $0x0  }
0x23: {  	s16 =	simm.s32 $0x1800;
	[sflag:s11] =	ssyncadd.s32 $0xFFFFF800  }
0x24: {  	[tilespmem:s16], [sflag:$0x1] =	stream.strided.gather [hbm4b:s5+s9], $0x800, s10, s9, $0x38;
	[tilespmem:$0x4400] =	vst v63  }
0x25: {  	_ =	swait.ge [sflag:s11], $0x800  }
0x26: {  	[sflag:s11] =	ssyncset.done $0x0  }
0x27: {  	[sflag:s11] =	ssyncadd.s32 $0xFFFFF800  }
0x28: {  	v10 =	vld [tilespmem:s15+$0x0]  }
0x29: {  	v11 =	vld [tilespmem:s16+$0x0];
	_ =	sdelay $0x3  }
0x2a: {  	vm3 =	vlt.f32 v10, $0.0e+00  }
0x2b: {  	vm4 =	vgt.f32 v10, $0.0e+00;
	vm5 =	vlt.f32 v11, $0.0e+00;
	vm6 =	vgt.f32 v11, $0.0e+00  }
0x2c: {  	vm3 =	vmor vm4, vm3;
	vm4 =	vmor vm6, vm5  }
0x2d: {  	vm4 =	vmand vm3, vm4  }
0x2e: {  	v12 =	vsel vm4, $0x1, v1  }
0x2f: {  	v13 =	vperm.xlane v12, v2  }
0x30: {  	vm3 =	veq.s32 v3, $0x0  }
0x31: {  	v13 =	vsel vm3, $0x0, v13  }
0x32: {  	v12 =	vadd.s32 v12, v13  }
0x33: {  	v13 =	vperm.xlane v12, v4;
	_ =	sdelay $0x1  }
0x34: {  	v13 =	vsel vm0, $0x0, v13  }
0x35: {  	v12 =	vadd.s32 v13, v12  }
0x36: {  	v13 =	vperm.xlane v12, v5;
	_ =	sdelay $0x1  }
0x37: {  	v13 =	vsel vm1, $0x0, v13  }
0x38: {  	v12 =	vadd.s32 v13, v12  }
0x39: {  	v13 =	vperm.xlane v12, v6;
	_ =	sdelay $0x1  }
0x3a: {  	v13 =	vsel vm2, $0x0, v13  }
0x3b: {  	v12 =	vadd.s32 v13, v12  }
0x3c: {  	v13 =	vperm.xlane v12, v7;
	_ =	sdelay $0x1  }
0x3d: {  	vm5 =	vlt.s32 v13, v8  }
0x3e: {  	v13 =	vsel vm5, $0x8, v1  }
0x3f: {  	v14 =	vor.u32 $0x3, v13  }
0x40: {  	v14 =	vperm.xlane v12, v14;
	_ =	sdelay $0x1  }
0x41: {  	vm5 =	vlt.s32 v14, v8  }
0x42: {  	v14 =	vsel vm5, $0x4, v1  }
0x43: {  	v13 =	vor.u32 v13, v14  }
0x44: {  	v14 =	vor.u32 $0x1, v13  }
0x45: {  	v14 =	vperm.xlane v12, v14;
	_ =	sdelay $0x1  }
0x46: {  	vm5 =	vlt.s32 v14, v8  }
0x47: {  	v14 =	vsel vm5, $0x2, v1  }
0x48: {  	v13 =	vor.u32 v14, v13  }
0x49: {  	v14 =	vperm.xlane v12, v13;
	_ =	sdelay $0x1  }
0x4a: {  	vm5 =	vlt.s32 v14, v8  }
0x4b: {  	v14 =	vsel vm5, $0x1, v1  }
0x4c: {  	v13 =	vor.u32 v14, v13  }
0x4d: {  	v14 =	vor.u32 s14, v13  }
0x4e: {  	[tilespmem:s14+$0x2880] =	vst v14;
	v14 =	vld [tilespmem:s14+$0x0];
	_ =	sdelay $0x2  }
0x4f: {  	(v2sf) =	vpush v12, $0xF;
	_ =	sdelay $0x1  }
0x50: {  	v10 =	vsub.f32 v14, v10;
	_ =	sdelay $0x1  }
0x51: {  	v10 =	vperm.xlane v10, v13;
	_ =	sdelay $0x1  }
0x52: {  	[tilespmem:s14+$0x3100] =	vst v10  }
0x53: {  	v10 =	vld [tilespmem:s18+$0x0];
	_ =	sdelay $0x4  }
0x54: {  	v14 =	vor.u32 s14, v3;
	v10 =	vsub.f32 v10, v11  }
0x55: {  	vm5 =	vgt.u32 v14, $0x1;
	v11 =	vperm.xlane v12, v9  }
0x56: {  	v12 =	vmov s14;
	v10 =	vperm.xlane v10, v13;
	v13 =	vsel vm4, $0x3F800000, v0  }
0x57: {  	s17 =	simm.s32 $0x2000;
	s20 =	simm.s32 $0x810;
	s19 =	spop (v2sf);
	vm4 =	veq.s32 v12, v3;
	v12 =	vadd.s32 v1, v11;
	v11 =	vimm.f32 $0.0e+00  }
0x58: {  	s21 =	simm.s32 $0x2010;
	s19 =	sadd.s32 $0x0, s19;
	s18 =	simm.s32 $0x10;
	v14 =	vsel vm4, $0x0, v13;
	v15 =	vnsel vm5, $0x0, v13;
	[tilespmem:s14+$0x3980] =	vst v10;
	v10 =	vimm.f32 $0.0e+00  }
.LBB2_3:
0x59: {  	[tilespmem:s17+$0x0] =	vst v13;
	v10 =	vadd.f32 v14, v10;
	v11 =	vadd.f32 v15, v11;
	s15 =	sadd.s32 $0x10, s15;
	s16 =	sadd.s32 $0x10, s16;
	s14 =	sadd.s32 $0x10, s14  }
0x5a: {  	p0 =	seq.s32 s18, $0x7F0;
	s23 =	smov.u32 s18;
	s18 =	sadd.s32 $0x10, s18;
	v13 =	vld [tilespmem:s15+$0x0]  }
0x5b: {  	s22 =	smov.u32 s19;
	s17 =	smov.u32 s21;
	v14 =	vld [tilespmem:s16+$0x0];
	_ =	sdelay $0x3  }
0x5c: {  	vm4 =	vlt.f32 v13, $0.0e+00;
	vm5 =	vgt.f32 v13, $0.0e+00  }
0x5d: {  	vm4 =	vmor vm5, vm4;
	vm5 =	vlt.f32 v14, $0.0e+00;
	vm6 =	vgt.f32 v14, $0.0e+00  }
0x5e: {  	vm5 =	vmor vm6, vm5  }
0x5f: {  	vm4 =	vmand vm4, vm5  }
0x60: {  	v15 =	vsel vm4, $0x1, v1  }
0x61: {  	v16 =	vperm.xlane v15, v2;
	_ =	sdelay $0x1  }
0x62: {  	v16 =	vsel vm3, $0x0, v16  }
0x63: {  	v15 =	vadd.s32 v15, v16  }
0x64: {  	v16 =	vperm.xlane v15, v4;
	_ =	sdelay $0x1  }
0x65: {  	v16 =	vsel vm0, $0x0, v16  }
0x66: {  	v15 =	vadd.s32 v16, v15  }
0x67: {  	v16 =	vperm.xlane v15, v5;
	_ =	sdelay $0x1  }
0x68: {  	v16 =	vsel vm1, $0x0, v16  }
0x69: {  	v15 =	vadd.s32 v16, v15  }
0x6a: {  	v16 =	vperm.xlane v15, v6;
	_ =	sdelay $0x1  }
0x6b: {  	v16 =	vsel vm2, $0x0, v16  }
0x6c: {  	v15 =	vadd.s32 v16, v15  }
0x6d: {  	v16 =	vperm.xlane v15, v7;
	v17 =	vperm.xlane v15, v9;
	(v2sf) =	vpush v15, $0xF;
	_ =	sdelay $0x1  }
0x6e: {  	vm5 =	vlt.s32 v16, v8;
	v12 =	vadd.s32 v12, v17  }
0x6f: {  	v16 =	vsel vm5, $0x8, v1  }
0x70: {  	v17 =	vor.u32 $0x3, v16  }
0x71: {  	v17 =	vperm.xlane v15, v17;
	_ =	sdelay $0x1  }
0x72: {  	vm5 =	vlt.s32 v17, v8  }
0x73: {  	v17 =	vsel vm5, $0x4, v1  }
0x74: {  	v16 =	vor.u32 v16, v17  }
0x75: {  	v17 =	vor.u32 $0x1, v16  }
0x76: {  	v17 =	vperm.xlane v15, v17;
	_ =	sdelay $0x1  }
0x77: {  	vm5 =	vlt.s32 v17, v8  }
0x78: {  	v17 =	vsel vm5, $0x2, v1  }
0x79: {  	v16 =	vor.u32 v17, v16;
	s24 =	spop (v2sf)  }
0x7a: {  	v15 =	vperm.xlane v15, v16;
	s19 =	sadd.s32 s19, s24;
	_ =	sdelay $0x1  }
0x7b: {  	vm5 =	vlt.s32 v15, v8  }
0x7c: {  	v15 =	vsel vm5, $0x1, v1  }
0x7d: {  	v15 =	vor.u32 v15, v16  }
0x7e: {  	v16 =	vor.u32 s23, v15  }
0x7f: {  	[tilespmem:s22+$0x2880] =	vst v16  }
0x80: {  	v16 =	vld [tilespmem:s14+$0x0];
	_ =	sdelay $0x4  }
0x81: {  	v13 =	vsub.f32 v16, v13;
	_ =	sdelay $0x1  }
0x82: {  	v13 =	vperm.xlane v13, v15;
	_ =	sdelay $0x1  }
0x83: {  	[tilespmem:s22+$0x3100] =	vst v13  }
0x84: {  	v13 =	vld [tilespmem:s20+$0x0];
	_ =	sdelay $0x4  }
.Ltmp1:
0x85: {  	v13 =	vsub.f32 v13, v14;
	(pc) =	sbr.rel @!p0 .LBB2_3-.Ltmp1, $4  }
0x86: {  	_ = 	snop  }
0x87: {  	v16 =	vor.u32 s23, v3;
	v14 =	vmov s23;
	v15 =	vperm.xlane v13, v15  }
0x88: {  	vm5 =	vgt.u32 v16, $0x1;
	v13 =	vsel vm4, $0x3F800000, v0;
	vm4 =	veq.s32 v14, v3  }
0x89: {  	s21 =	sadd.s32 $0x10, s21;
	s20 =	sadd.s32 $0x10, s20;
	v14 =	vsel vm4, $0x0, v13;
	[tilespmem:s22+$0x3980] =	vst v15;
	v15 =	vnsel vm5, $0x0, v13  }
0x8a: {  	[tilespmem:s17+$0x0] =	vst v13;
	s18 =	simm.s32 $0x2882  }
0x8b: {  	v11 =	vadd.f32 v15, v11;
	v15 =	vld [tilespmem:s18+$0xFFFFFFFE]  }
0x8c: {  	v16 =	vld [tilespmem:s18+$0xFFFFFFFF]  }
0x8d: {  	v17 =	vld [tilespmem:s18+$0x0];
	_ =	sdelay $0x3  }
0x8e: {  	v15 =	vsub.s32 v16, v15  }
0x8f: {  	s28 =	simm.s32 $0x2892;
	v16 =	vsub.s32 v17, v16;
	v15 =	vcvt.s32.f32 v15  }
0x90: {  	v18 =	vld [tilespmem:s28+$0xFFFFFFFE];
	v16 =	vcvt.s32.f32 v16  }
0x91: {  	(erf) = vrcp.f32 v15;
	v15 =	vld [tilespmem:s28+$0xFFFFFFFF]  }
0x92: {  	s16 =	simm.s32 $0x3981;
	v19 =	vld [tilespmem:s28+$0x0];
	(erf) = vrcp.f32 v16  }
0x93: {  	s26 =	simm.s32 $0x3102;
	v20 =	vld [tilespmem:s16+$0xFFFFFFFF]  }
0x94: {  	v22 =	vld [tilespmem:s26+$0x0]  }
0x95: {  	v17 =	vld [tilespmem:s26+$0xFFFFFFFE]  }
0x96: {  	v16 =	vld [tilespmem:s26+$0xFFFFFFFF];
	v18 =	vsub.s32 v15, v18  }
0x97: {  	v21 =	vld [tilespmem:s16+$0x0];
	v18 =	vcvt.s32.f32 v18  }
0x98: {  	v23 =	vld [tilespmem:s16+$0x1];
	v15 =	vsub.s32 v19, v15  }
0x99: {  	s29 =	simm.s32 $0x3112;
	v15 =	vcvt.s32.f32 v15  }
0x9a: {  	s30 =	simm.s32 $0x28A2;
	v25 =	vld [tilespmem:s29+$0xFFFFFFFE];
	v19 =	vpop (erf);
	(erf) = vrcp.f32 v18  }
0x9b: {  	v17 =	vsub.f32 v16, v17;
	v16 =	vsub.f32 v22, v16;
	v22 =	vld [tilespmem:s30+$0xFFFFFFFF];
	v18 =	vpop (erf);
	(erf) = vrcp.f32 v15  }
0x9c: {  	v15 =	vmul.f32 $2.500000000e+01, v19;
	v19 =	vld [tilespmem:s30+$0xFFFFFFFE];
	v18 =	vmul.f32 $2.500000000e+01, v18  }
0x9d: {  	s31 =	simm.s32 $0x3991;
	v20 =	vsub.f32 v21, v20;
	v21 =	vsub.f32 v23, v21;
	v23 =	vld [tilespmem:s30+$0x0]  }
0x9e: {  	v26 =	vld [tilespmem:s31+$0xFFFFFFFF];
	v17 =	vmul.f32 v15, v17;
	v16 =	vmul.f32 v18, v16  }
0x9f: {  	v15 =	vmul.f32 v20, v15;
	v20 =	vld [tilespmem:s29+$0xFFFFFFFF];
	v21 =	vmul.f32 v21, v18  }
0xa0: {  	v10 =	vadd.f32 v14, v10;
	v13 =	vadd.s32 $0xFFFFFFFF, v12;
	v28 =	vld [tilespmem:s29+$0x0];
	v16 =	vsub.f32 v16, v17  }
0xa1: {  	v27 =	vld [tilespmem:s31+$0x0];
	v21 =	vsub.f32 v21, v15;
	v17 =	vmul.f32 v17, v17;
	v19 =	vsub.s32 v22, v19  }
0xa2: {  	v15 =	vmul.f32 v15, v15;
	v22 =	vsub.s32 v23, v22;
	v19 =	vcvt.s32.f32 v19  }
0xa3: {  	v12 =	vadd.s32 $0xFFFFFFFE, v12;
	s14 =	simm.s32 $0x2002;
	v16 =	vmul.f32 v16, v18;
	v18 =	vmul.f32 v21, v18;
	v21 =	vld [tilespmem:s31+$0x1]  }
0xa4: {  	s19 =	simm.s32 $0x28B2;
	v24 =	vld [tilespmem:s14+$0x0];
	v23 =	vcvt.s32.f32 v22;
	v29 =	vadd.f32 v15, v17;
	v15 =	vsub.f32 v20, v25  }
0xa5: {  	v20 =	vsub.f32 v28, v20;
	v28 =	vld [tilespmem:s19+$0xFFFFFFFE];
	v22 =	vpop (erf);
	v16 =	vmul.f32 v16, v16;
	v18 =	vmul.f32 v18, v18  }
0xa6: {  	v26 =	vsub.f32 v27, v26;
	(erf) = vrcp.f32 v19;
	v31 =	vmul.f32 $2.500000000e+01, v22;
	v22 =	vld [tilespmem:s19+$0xFFFFFFFF]  }
0xa7: {  	v14 =	vimm.f32 $0.0e+00;
	v30 =	vld [tilespmem:s14+$0xFFFFFFFF];
	s14 =	simm.s32 $0x2012;
	v19 =	vpop (erf);
	(erf) = vrcp.f32 v23;
	v16 =	vadd.f32 v18, v16  }
0xa8: {  	s15 =	simm.s32 $0x0;
	s20 =	simm.s32 $0x39A1;
	v17 =	vld [tilespmem:s14+$0x0];
	v32 =	vmul.f32 $2.500000000e+01, v19;
	v26 =	vmul.f32 v26, v31;
	v21 =	vsub.f32 v21, v27  }
0xa9: {  	s17 =	simm.s32 $0x3122;
	v25 =	vor.u32 s15, v3;
	v23 =	vld [tilespmem:s20+$0xFFFFFFFF];
	v27 =	vmul.f32 v31, v15;
	v16 =	vmul.f32 v16, v24  }
0xaa: {  	vm3 =	vlt.s32 v25, v12;
	v18 =	vld [tilespmem:s17+$0xFFFFFFFE];
	v20 =	vmul.f32 v32, v20;
	v21 =	vmul.f32 v21, v32  }
0xab: {  	v24 =	vld [tilespmem:s19+$0x0];
	v31 =	vmul.f32 v26, v26;
	v28 =	vsub.s32 v22, v28;
	v15 =	vnsel vm3, $0x0, v16  }
0xac: {  	v19 =	vld [tilespmem:s17+$0xFFFFFFFF];
	v16 =	vmul.f32 v27, v27;
	v27 =	vsub.f32 v20, v27;
	v26 =	vsub.f32 v21, v26  }
0xad: {  	s21 =	simm.s32 $0x40;
	v20 =	vmul.f32 v29, v30;
	vm3 =	vlt.s32 v25, v13;
	v15 =	vadd.f32 v15, v14;
	v21 =	vld [tilespmem:s20+$0x0]  }
0xae: {  	s18 =	simm.s32 $0x10;
	s16 =	simm.s32 $0x20;
	s15 =	simm.s32 $0x30;
	v25 =	vld [tilespmem:s17+$0x0];
	v16 =	vadd.f32 v31, v16;
	v27 =	vmul.f32 v27, v32;
	v26 =	vmul.f32 v26, v32  }
.LBB2_5:
0xaf: {  	p0 =	sne.s32 s21, $0x7F0;
	v28 =	vcvt.s32.f32 v28;
	v29 =	vld [tilespmem:s20+$0x1];
	v30 =	vpop (erf);
	v31 =	vnsel vm3, $0x0, v20  }
0xb0: {  	v20 =	vsub.s32 v24, v22;
	v22 =	vpop (erf);
	v32 =	vld [tilespmem:s14+$0xFFFFFFFF];
	v24 =	vmul.f32 v27, v27;
	v26 =	vmul.f32 v26, v26  }
0xb1: {  	v33 =	vor.u32 s18, v3;
	s18 =	smov.u32 s16;
	s16 =	smov.u32 s15;
	v27 =	vsub.f32 v19, v18;
	s14 =	sadd.s32 $0x10, s14;
	v20 =	vcvt.s32.f32 v20  }
0xb2: {  	s17 =	sadd.s32 $0x10, s17;
	s15 =	smov.u32 s21;
	(erf) = vrcp.f32 v28;
	v28 =	vld [tilespmem:s14+$0x0];
	v23 =	vsub.f32 v21, v23;
	v24 =	vadd.f32 v26, v24  }
0xb3: {  	s19 =	sadd.s32 $0x10, s19;
	v18 =	vld [tilespmem:s17+$0xFFFFFFFE];
	(erf) = vrcp.f32 v20;
	v20 =	vmul.f32 $2.500000000e+01, v30;
	v25 =	vsub.f32 v25, v19  }
0xb4: {  	v30 =	vmul.f32 $2.500000000e+01, v22;
	v26 =	vld [tilespmem:s19+$0xFFFFFFFE];
	v21 =	vsub.f32 v29, v21;
	v35 =	vmul.f32 v24, v17  }
0xb5: {  	vm3 =	vlt.s32 v33, v12;
	v22 =	vld [tilespmem:s19+$0xFFFFFFFF];
	v27 =	vmul.f32 v20, v27;
	v20 =	vmul.f32 v23, v20  }
.Ltmp2:
0xb6: {  	v25 =	vmul.f32 v30, v25;
	v19 =	vld [tilespmem:s17+$0xFFFFFFFF];
	v21 =	vmul.f32 v21, v30;
	v23 =	vnsel vm3, $0x0, v35;
	(pc) =	sbr.rel @p0 .LBB2_5-.Ltmp2, $4  }
0xb7: {  	s20 =	sadd.s32 $0x10, s20;
	v24 =	vld [tilespmem:s19+$0x0];
	v29 =	vmul.f32 v27, v27;
	v34 =	vmul.f32 v20, v20;
	v15 =	vadd.f32 v23, v15;
	v17 =	vmovc v28  }
0xb8: {  	v27 =	vsub.f32 v25, v27;
	v23 =	vld [tilespmem:s20+$0xFFFFFFFF];
	v35 =	vsub.f32 v21, v20;
	v20 =	vmul.f32 v16, v32  }
0xb9: {  	v14 =	vadd.f32 v31, v14;
	vm3 =	vlt.s32 v33, v13;
	v21 =	vld [tilespmem:s20+$0x0];
	v16 =	vadd.f32 v34, v29  }
0xba: {  	s21 =	sadd.s32 $0x10, s21;
	v27 =	vmul.f32 v27, v30;
	v28 =	vsub.s32 v22, v26;
	v25 =	vld [tilespmem:s17+$0x0];
	v26 =	vmul.f32 v35, v30  }
0xbb: {  	_ = 	snop  }
0xbc: {  	v28 =	vcvt.s32.f32 v28;
	v22 =	vsub.s32 v24, v22  }
0xbd: {  	v29 =	vld [tilespmem:s20+$0x1];
	v22 =	vcvt.s32.f32 v22  }
0xbe: {  	v62 =	vpop (erf);
	s17 =	sadd.s32 $0x10, s17;
	v31 =	vld [tilespmem:s14+$0xFFFFFFFF];
	(erf) = vrcp.f32 v28  }
0xbf: {  	v63 =	vpop (erf);
	v30 =	vld [tilespmem:s17+$0xFFFFFFFE];
	(erf) = vrcp.f32 v22  }
0xc0: {  	v18 =	vsub.f32 v19, v18;
	s19 =	sadd.s32 $0x10, s20;
	v42 =	vor.u32 s18, v3;
	v20 =	vnsel vm3, $0x0, v20;
	v36 =	vld [tilespmem:s17+$0xFFFFFFFF]  }
0xc1: {  	v53 =	vor.u32 s16, v3;
	v27 =	vmul.f32 v27, v27;
	v33 =	vmul.f32 $2.500000000e+01, v62;
	v38 =	vld [tilespmem:s19+$0xFFFFFFFF]  }
0xc2: {  	v26 =	vmul.f32 v26, v26;
	v39 =	vld [tilespmem:s19+$0x0];
	v35 =	vmul.f32 $2.500000000e+01, v63;
	v34 =	vsub.f32 v25, v19  }
0xc3: {  	v40 =	vld [tilespmem:s17+$0x0];
	vm4 =	vlt.s32 v42, v12;
	v23 =	vsub.f32 v21, v23;
	v37 =	vsub.f32 v29, v21  }
0xc4: {  	v41 =	vld [tilespmem:s19+$0x1];
	v18 =	vmul.f32 v33, v18;
	v26 =	vadd.f32 v26, v27;
	v19 =	vmul.f32 v35, v34  }
0xc5: {  	vm3 =	vlt.s32 v42, v13;
	v22 =	vmul.f32 v23, v33;
	v21 =	vmul.f32 v37, v35  }
0xc6: {  	v17 =	vmul.f32 v26, v17;
	v30 =	vsub.f32 v36, v30;
	v19 =	vsub.f32 v19, v18  }
0xc7: {  	v16 =	vmul.f32 v16, v31;
	v28 =	vsub.f32 v39, v38;
	v21 =	vsub.f32 v21, v22;
	v43 =	vpop (erf)  }
0xc8: {  	v23 =	vsub.f32 v40, v36;
	v19 =	vmul.f32 v19, v35;
	v24 =	vmul.f32 $2.500000000e+01, v43;
	v32 =	vpop (erf)  }
0xc9: {  	v44 =	vsub.f32 v41, v39;
	v21 =	vmul.f32 v21, v35;
	v46 =	vmul.f32 $2.500000000e+01, v32  }
0xca: {  	s31 =	sadd.s32 $0x10, s14;
	v14 =	vadd.f32 v20, v14;
	v30 =	vmul.f32 v24, v30;
	v24 =	vmul.f32 v28, v24  }
0xcb: {  	v45 =	vld [tilespmem:s31+$0x0];
	v17 =	vnsel vm4, $0x0, v17;
	v47 =	vmul.f32 v46, v23;
	v48 =	vmul.f32 v44, v46  }
0xcc: {  	v15 =	vadd.f32 v17, v15;
	v19 =	vmul.f32 v19, v19;
	v21 =	vmul.f32 v21, v21  }
0xcd: {  	v49 =	vld [tilespmem:s31+$0xFFFFFFFF];
	v18 =	vmul.f32 v18, v18;
	v17 =	vsub.f32 v47, v30;
	v50 =	vsub.f32 v48, v24  }
0xce: {  	s14 =	sadd.s32 $0x10, s31;
	v22 =	vmul.f32 v22, v22;
	v19 =	vadd.f32 v21, v19;
	v55 =	vmul.f32 v30, v30  }
0xcf: {  	v52 =	vld [tilespmem:s14+$0xFFFFFFFF];
	v16 =	vnsel vm3, $0x0, v16;
	v17 =	vmul.f32 v17, v46;
	v51 =	vmul.f32 v50, v46  }
0xd0: {  	v54 =	vld [tilespmem:s14+$0x0];
	v18 =	vadd.f32 v22, v18;
	v19 =	vmul.f32 v19, v45;
	v24 =	vmul.f32 v24, v24  }
0xd1: {  	vm3 =	vlt.s32 v53, v12;
	v17 =	vmul.f32 v17, v17;
	v20 =	vmul.f32 v51, v51  }
0xd2: {  	v14 =	vadd.f32 v16, v14;
	v18 =	vmul.f32 v18, v49;
	v56 =	vadd.f32 v24, v55  }
0xd3: {  	v19 =	vnsel vm3, $0x0, v19;
	vm3 =	vlt.s32 v53, v13;
	v57 =	vadd.f32 v20, v17  }
0xd4: {  	v59 =	vor.u32 s15, v3;
	v58 =	vnsel vm3, $0x0, v18;
	v60 =	vmul.f32 v56, v52  }
0xd5: {  	vm3 =	vlt.s32 v59, v13;
	v61 =	vadd.f32 v58, v14;
	v16 =	vmul.f32 v57, v54  }
0xd6: {  	v62 =	vadd.f32 v19, v15;
	v63 =	vnsel vm3, $0x0, v60;
	vm3 =	vlt.s32 v59, v12  }
0xd7: {  	[tilespmem:$0x4300] =	vst v10;
	v13 =	vadd.f32 v63, v61;
	v12 =	vnsel vm3, $0x0, v16  }
0xd8: {  	s13 =	sadd.s32 $0x1, s13;
	[tilespmem:$0x4380] =	vst v11;
	v12 =	vadd.f32 v12, v62  }
0xd9: {  	p0 =	sne.s32 s13, s8;
	[tilespmem:$0x4200] =	vst v13  }
.Ltmp3:
0xda: {  	[tilespmem:$0x4280] =	vst v12;
	(pc) =	sbr.rel @p0 .LBB2_2-.Ltmp3, $4  }
0xdb: {  	[hbm4b:s6+s2] =	stream.linear.scatter [tilespmem:s12], [sflag:$0x1], $0x200, $0x38;
	[tilespmem:$0x4400] =	vst v63  }
0xdc: {  	_ =	swait.ge [sflag:s11], $0x200  }
0xdd: {  	[sflag:s11] =	ssyncset.done $0x0  }
0xde: {  	[sflag:s11] =	ssyncadd.s32 $0xFFFFFE00  }
.LBB2_7:
0xdf: {  	_ =	sfence.sel $0x180000  }
0xe0: {  	[bflag:$0x0] =	sbarrier.arrive $0xFFFF  }
0xe1: {  	p0 =	sne.s32 s1, $0x0;
	_ =	strace $0x90000047  }
0xe2: {  	s0 =	sadd.s32 @!p0 $0x100000, s0;
	[bflag:$0x2] =	sbarrier.arrive $0xFFFF  }
0xe3: {  	[sflag:s0] =	ssyncadd.tile.s32 @!p0 $0x1;
	_ =	shalt  }
.Lfunc_end2:
_tile_overlayer_lowered:
.L_overlay_start_2:
0xe4: {  	(tag) =	ssettag $0x2  }
0xe5: {  	s0 =	rddreg [dreg:$0x0];
	s2 =	stileid.u32  }
0xe6: {  	s1 =	rddreg [dreg:$0x1];
	p0 =	sne.s32 s2, $0x0  }
0xe7: {  	s3 =	rddreg [dreg:$0x2];
	[bflag:$0x3] =	sbarrier.arrive $0xFFFF;
	s2 =	simm.s32 @!p0 $0x1C01  }
0xe8: {  	[timem:s3], [sflag:s2] =	dma.local @!p0 [hbm:s0], s1  }
0xe9: {  	s0 =	simm.s32 @!p0 $0x1  }
0xea: {  	_ =	swait.ge @!p0 [sflag:s0], s1  }
0xeb: {  	s1 =	ssub.s32 @!p0 $0x0, s1;
	[sflag:s0] =	ssyncset.done @!p0 $0x0  }
0xec: {  	[sflag:s0] =	ssyncadd.s32 @!p0 s1  }
0xed: {  	[bflag:$0x3] =	sbarrier.arrive $0xFFFF  }
0xee: {  	_ =	shalt  }

</sc_bundles>
